<compile_context>
chip_gen: v7x
topology: tpu7x:2x2x1
jax: 0.10.2.dev20260603
libtpu: 0.0.44.dev20260713+nightly
codegen_flags: <defaults>
</compile_context>

<pallas_src>
import functools

import jax
import jax.numpy as jnp
from jax import lax
from jax.experimental import pallas as pl
from jax.experimental.pallas import tpu as pltpu
from jax.experimental.pallas import tpu_sc as plsc

KC = 8192
DM = 256
MT = 16384
BM_C = 2048
NBC = MT // BM_C

NC, NS, LN = 2, 16, 16
NW = NC * NS
TPW = MT // NW
CHUNK = 128
NCH = TPW // CHUNK


def _gather_body(emb_ref, idx_ref, eq_ref, idx_v, rows_a, rows_b, sem_a, sem_b):
    cid = lax.axis_index("c")
    sid = lax.axis_index("s")
    wid = cid * NS + sid
    base = wid * TPW

    pltpu.sync_copy(idx_ref.at[pl.ds(wid * NCH, NCH)], idx_v)

    bufs = (rows_a, rows_b)
    sems = (sem_a, sem_b)
    copies = [None, None]
    copies[0] = pltpu.async_copy(emb_ref.at[idx_v.at[0]], bufs[0], sems[0])
    copies[1] = pltpu.async_copy(emb_ref.at[idx_v.at[1]], bufs[1], sems[1])
    for c in range(NCH):
        b = c % 2
        copies[b].wait()
        pltpu.sync_copy(bufs[b], eq_ref.at[pl.ds(base + c * CHUNK, CHUNK)])
        if c + 2 < NCH:
            copies[b] = pltpu.async_copy(emb_ref.at[idx_v.at[c + 2]], bufs[b], sems[b])


@functools.cache
def _gather_call():
    return functools.partial(
        pl.kernel,
        out_type=[jax.ShapeDtypeStruct((MT, DM), jnp.float32)],
        mesh=plsc.VectorSubcoreMesh(core_axis_name="c", subcore_axis_name="s"),
        scratch_types=[
            pltpu.VMEM((NCH, CHUNK), jnp.int32),
            pltpu.VMEM((CHUNK, DM), jnp.float32),
            pltpu.VMEM((CHUNK, DM), jnp.float32),
            pltpu.SemaphoreType.DMA,
            pltpu.SemaphoreType.DMA,
        ],
    )(_gather_body)


def _finalize_body(z_ref, eq_ref, cnt_ref, st_ref, loss_ref, stats_ref, acc_ref):
    i = pl.program_id(0)
    zb = z_ref[...]
    eb = eq_ref[...]
    st_ref[...] = zb + (eb - zb)
    diff = eb - zb
    s = jnp.sum(diff * diff)

    @pl.when(i == 0)
    def _():
        acc_ref[0, 0] = s

    @pl.when(i > 0)
    def _():
        acc_ref[0, 0] = acc_ref[0, 0] + s

    @pl.when(i == NBC - 1)
    def _():
        cb = acc_ref[0, 0] / jnp.float32(MT * DM)
        loss_ref[...] = (cb + 0.25 * cb).reshape(1, 1)
        counts = cnt_ref[...].astype(jnp.float32)
        p = counts / jnp.float32(MT)
        ent = jnp.sum(p * jnp.log(p + 1e-10))
        perp = jnp.exp(-ent)
        cluster = jnp.sum((counts > 0).astype(jnp.float32))
        stats_ref[...] = jnp.concatenate(
            [perp.reshape(1, 1), cluster.reshape(1, 1)], axis=1)


_finalize_call = pl.pallas_call(
    _finalize_body,
    out_shape=[jax.ShapeDtypeStruct((MT, DM), jnp.float32),
               jax.ShapeDtypeStruct((1, 1), jnp.float32),
               jax.ShapeDtypeStruct((1, 2), jnp.float32)],
    grid=(NBC,),
    in_specs=[
        pl.BlockSpec((BM_C, DM), lambda i: (i, 0)),
        pl.BlockSpec((BM_C, DM), lambda i: (i, 0)),
        pl.BlockSpec((1, KC), lambda i: (0, 0)),
    ],
    out_specs=[
        pl.BlockSpec((BM_C, DM), lambda i: (i, 0)),
        pl.BlockSpec((1, 1), lambda i: (0, 0)),
        pl.BlockSpec((1, 2), lambda i: (0, 0)),
    ],
    scratch_shapes=[pltpu.SMEM((1, 1), jnp.float32)],
    compiler_params=pltpu.CompilerParams(dimension_semantics=("arbitrary",)),
)


def kernel(z_e, embedding):
    B, Dm, H, W = z_e.shape
    z = jnp.transpose(z_e, (0, 2, 3, 1)).reshape(-1, Dm)
    z2d = z.astype(embedding.dtype)
    z_sq = jnp.sum(z2d ** 2, axis=1, keepdims=True)
    e_sq = jnp.sum(embedding ** 2, axis=1)
    ze = z2d @ embedding.T
    distances = z_sq + e_sq[None, :] - 2.0 * ze
    indices = jnp.argmin(distances, axis=1)

    (eq_flat,) = _gather_call()(embedding, indices.reshape(MT // CHUNK, CHUNK))
    counts = jnp.bincount(indices, length=KC)

    eq_st, loss, stats2 = _finalize_call(
        z2d, eq_flat, counts.reshape(1, KC).astype(jnp.int32))

    e_q = jnp.transpose(eq_st.reshape(B, H, W, Dm), (0, 3, 1, 2))
    return (e_q, indices, loss[0, 0], stats2.reshape(2))

# --- scband reference (transcript-rebuilt; emitter-appended) ---
"""Pipeline reference for scband-vector-quantizer-ema-21371757265042 (READ-ONLY COPY).

The authoritative reference and input builder live on the scoring server;
editing this copy changes nothing except your own understanding.
"""

import jax, jax.numpy as jnp
import numpy as np

K = 8192
D = 256
BETA = 0.25

def setup_inputs(seed: int = 0) -> dict:
    key = jax.random.key(seed)
    k1, k2 = jax.random.split(key)
    z_e = jax.random.normal(k1, (16, 256, 32, 32), dtype=jnp.float32)
    limit = 3 ** 0.5
    embedding = jax.random.uniform(k2, (K, D), dtype=jnp.float32, minval=-limit, maxval=limit)
    return {"z_e": z_e, "embedding": embedding}

def reference(z_e, embedding):
    B, Dm, H, W = z_e.shape
    z = jnp.transpose(z_e, (0, 2, 3, 1)).reshape(-1, Dm)
    z32 = z.astype(embedding.dtype)
    z_sq = jnp.sum(z32 ** 2, axis=1, keepdims=True)
    e_sq = jnp.sum(embedding ** 2, axis=1)
    ze = z32 @ embedding.T
    distances = z_sq + e_sq[None, :] - 2.0 * ze
    indices = jnp.argmin(distances, axis=1)
    e_q_flat = jnp.take(embedding, indices, axis=0)
    codebook_loss = jnp.mean((e_q_flat - jax.lax.stop_gradient(z32)) ** 2)
    commit_loss = BETA * jnp.mean((z32 - jax.lax.stop_gradient(e_q_flat)) ** 2)
    vq_loss = codebook_loss + commit_loss
    # use_rrt=False -> standard straight-through estimator
    e_q_st = z + jax.lax.stop_gradient(e_q_flat.astype(z.dtype) - z)
    e_q = jnp.transpose(e_q_st.reshape(B, H, W, Dm), (0, 3, 1, 2))
    counts = jnp.bincount(indices, length=K)
    avg_probs = counts.astype(jnp.float32) / indices.shape[0]
    perplexity = jnp.exp(-jnp.sum(avg_probs * jnp.log(avg_probs + 1e-10)))
    cluster_use = jnp.sum(counts > 0)
    stats = jnp.stack([perplexity, cluster_use.astype(jnp.float32)])
    return (e_q, indices, vq_loss, stats)

if __name__ == "__main__":
    import jax
    _d = setup_inputs()
    print(jax.jit(kernel)(*tuple(_d.values())))

</pallas_src>

<mosaic_0001>
#map = affine_map<(d0, d1) -> (0, 0)>
module attributes {stable_mosaic.version = 14 : i64} {
  func.func @_gather_body(%arg0: i32, %arg1: i32, %arg2: memref<8192x256xf32, #tpu.memory_space<hbm>>, %arg3: memref<128x128xi32, #tpu.memory_space<hbm>>, %arg4: memref<16384x256xf32, #tpu.memory_space<hbm>>, %arg5: memref<4x128xi32, #tpu.memory_space<vmem>>, %arg6: memref<128x256xf32, #tpu.memory_space<vmem>>, %arg7: memref<128x256xf32, #tpu.memory_space<vmem>>, %arg8: memref<!tpu.dma_semaphore, #tpu.memory_space<semaphore_mem>>, %arg9: memref<!tpu.dma_semaphore, #tpu.memory_space<semaphore_mem>>) attributes {dimension_semantics = [#tpu.dimension_semantics<core_parallel>, #tpu.dimension_semantics<subcore_parallel>], iteration_bounds = array<i64: 2, 16>, scalar_prefetch = 0 : i64, scratch_operands = 5 : i64, tpu.core_type = #tpu.core_type<sc_vector_subcore>, window_params = [{transform_indices = #map}, {transform_indices = #map}, {transform_indices = #map}]} {
    %mul3A = arith.constant 16 : i32
    %mul3A_0 = arith.muli %arg0, %mul3A : i32
    %add3A = arith.addi %mul3A_0, %arg1 : i32
    %mul3A_1 = arith.constant 512 : i32
    %mul3A_2 = arith.muli %add3A, %mul3A_1 : i32
    %mul3A_3 = arith.constant 4 : i32
    %mul3A_4 = arith.muli %add3A, %mul3A_3 : i32
    "tpu.region"() ({
      %run_scoped3A = tpu.sem_alloc : memref<!tpu.dma_semaphore, #tpu.memory_space<semaphore_mem>>
      %dma_start3A_67 = arith.constant 0 : i32
      %dma_start3A_68 = tpu.memref_slice %arg3[%mul3A_4, %dma_start3A_67] : memref<128x128xi32, #tpu.memory_space<hbm>> -> memref<4x128xi32, #tpu.memory_space<hbm>>
      %dma_start3A_69 = arith.constant 0 : i32
      %dma_start3A_70 = tpu.memref_slice %arg3[%mul3A_4, %dma_start3A_69] : memref<128x128xi32, #tpu.memory_space<hbm>> -> memref<4x128xi32, #tpu.memory_space<hbm>>
      tpu.enqueue_dma source(%dma_start3A_70 : memref<4x128xi32, #tpu.memory_space<hbm>>) target(%arg5 : memref<4x128xi32, #tpu.memory_space<vmem>>) target_semaphore(%run_scoped3A : memref<!tpu.dma_semaphore, #tpu.memory_space<semaphore_mem>>)
      %dma_wait3A_71 = arith.constant 0 : i32
      %dma_wait3A_72 = tpu.memref_slice %arg3[%mul3A_4, %dma_wait3A_71] : memref<128x128xi32, #tpu.memory_space<hbm>> -> memref<4x128xi32, #tpu.memory_space<hbm>>
      %dma_wait3A_73 = arith.constant 0 : i32
      %dma_wait3A_74 = tpu.memref_slice %arg3[%mul3A_4, %dma_wait3A_73] : memref<128x128xi32, #tpu.memory_space<hbm>> -> memref<4x128xi32, #tpu.memory_space<hbm>>
      tpu.wait_dma2 semaphore(%run_scoped3A : memref<!tpu.dma_semaphore, #tpu.memory_space<semaphore_mem>>) src(%dma_wait3A_74 : memref<4x128xi32, #tpu.memory_space<hbm>>) dst(%arg5 : memref<4x128xi32, #tpu.memory_space<vmem>>)
      tpu.yield
    }) : () -> ()
    %dma_start3A = arith.constant 0 : i32
    %dma_start3A_5 = arith.constant 0 : i32
    %dma_start3A_6 = tpu.memref_slice %arg5[%dma_start3A, %dma_start3A_5] : memref<4x128xi32, #tpu.memory_space<vmem>> -> memref<1x128xi32, #tpu.memory_space<vmem>>
    %dma_start3A_7 = tpu.memref_squeeze %dma_start3A_6 : memref<1x128xi32, #tpu.memory_space<vmem>> -> memref<128xi32, #tpu.memory_space<vmem>>
    %dma_start3A_8 = arith.constant 0 : i32
    %dma_start3A_9 = arith.constant 0 : i32
    %dma_start3A_10 = tpu.memref_slice %arg2[%dma_start3A_8, %dma_start3A_9] : memref<8192x256xf32, #tpu.memory_space<hbm>> -> memref<8192x256xf32, #tpu.memory_space<hbm>>
    tpu.enqueue_indirect_dma source(%dma_start3A_10 : memref<8192x256xf32, #tpu.memory_space<hbm>>) target(%arg6 : memref<128x256xf32, #tpu.memory_space<vmem>>) offsets(%dma_start3A_7 : memref<128xi32, #tpu.memory_space<vmem>>) semaphore(%arg8 : memref<!tpu.dma_semaphore, #tpu.memory_space<semaphore_mem>>)
    %dma_start3A_11 = arith.constant 1 : i32
    %dma_start3A_12 = arith.constant 0 : i32
    %dma_start3A_13 = tpu.memref_slice %arg5[%dma_start3A_11, %dma_start3A_12] : memref<4x128xi32, #tpu.memory_space<vmem>> -> memref<1x128xi32, #tpu.memory_space<vmem>>
    %dma_start3A_14 = tpu.memref_squeeze %dma_start3A_13 : memref<1x128xi32, #tpu.memory_space<vmem>> -> memref<128xi32, #tpu.memory_space<vmem>>
    %dma_start3A_15 = arith.constant 0 : i32
    %dma_start3A_16 = arith.constant 0 : i32
    %dma_start3A_17 = tpu.memref_slice %arg2[%dma_start3A_15, %dma_start3A_16] : memref<8192x256xf32, #tpu.memory_space<hbm>> -> memref<8192x256xf32, #tpu.memory_space<hbm>>
    tpu.enqueue_indirect_dma source(%dma_start3A_17 : memref<8192x256xf32, #tpu.memory_space<hbm>>) target(%arg7 : memref<128x256xf32, #tpu.memory_space<vmem>>) offsets(%dma_start3A_14 : memref<128xi32, #tpu.memory_space<vmem>>) semaphore(%arg9 : memref<!tpu.dma_semaphore, #tpu.memory_space<semaphore_mem>>)
    %dma_wait3A = arith.constant 0 : i32
    %dma_wait3A_18 = arith.constant 0 : i32
    %dma_wait3A_19 = tpu.memref_slice %arg5[%dma_wait3A, %dma_wait3A_18] : memref<4x128xi32, #tpu.memory_space<vmem>> -> memref<1x128xi32, #tpu.memory_space<vmem>>
    %dma_wait3A_20 = tpu.memref_squeeze %dma_wait3A_19 : memref<1x128xi32, #tpu.memory_space<vmem>> -> memref<128xi32, #tpu.memory_space<vmem>>
    %dma_wait3A_21 = arith.constant 0 : i32
    %dma_wait3A_22 = arith.constant 0 : i32
    %dma_wait3A_23 = tpu.memref_slice %arg2[%dma_wait3A_21, %dma_wait3A_22] : memref<8192x256xf32, #tpu.memory_space<hbm>> -> memref<8192x256xf32, #tpu.memory_space<hbm>>
    tpu.wait_indirect_dma semaphore(%arg8 : memref<!tpu.dma_semaphore, #tpu.memory_space<semaphore_mem>>) src(%dma_wait3A_23 : memref<8192x256xf32, #tpu.memory_space<hbm>>) dst(%arg6 : memref<128x256xf32, #tpu.memory_space<vmem>>)
    %add3A_24 = arith.constant 0 : i32
    %add3A_25 = arith.addi %mul3A_2, %add3A_24 : i32
    "tpu.region"() ({
      %run_scoped3A = tpu.sem_alloc : memref<!tpu.dma_semaphore, #tpu.memory_space<semaphore_mem>>
      %dma_start3A_67 = arith.constant 0 : i32
      %dma_start3A_68 = tpu.memref_slice %arg4[%add3A_25, %dma_start3A_67] : memref<16384x256xf32, #tpu.memory_space<hbm>> -> memref<128x256xf32, #tpu.memory_space<hbm>>
      %dma_start3A_69 = arith.constant 0 : i32
      %dma_start3A_70 = tpu.memref_slice %arg4[%add3A_25, %dma_start3A_69] : memref<16384x256xf32, #tpu.memory_space<hbm>> -> memref<128x256xf32, #tpu.memory_space<hbm>>
      tpu.enqueue_dma source(%arg6 : memref<128x256xf32, #tpu.memory_space<vmem>>) target(%dma_start3A_70 : memref<128x256xf32, #tpu.memory_space<hbm>>) target_semaphore(%run_scoped3A : memref<!tpu.dma_semaphore, #tpu.memory_space<semaphore_mem>>)
      %dma_wait3A_71 = arith.constant 0 : i32
      %dma_wait3A_72 = tpu.memref_slice %arg4[%add3A_25, %dma_wait3A_71] : memref<16384x256xf32, #tpu.memory_space<hbm>> -> memref<128x256xf32, #tpu.memory_space<hbm>>
      %dma_wait3A_73 = arith.constant 0 : i32
      %dma_wait3A_74 = tpu.memref_slice %arg4[%add3A_25, %dma_wait3A_73] : memref<16384x256xf32, #tpu.memory_space<hbm>> -> memref<128x256xf32, #tpu.memory_space<hbm>>
      tpu.wait_dma2 semaphore(%run_scoped3A : memref<!tpu.dma_semaphore, #tpu.memory_space<semaphore_mem>>) src(%arg6 : memref<128x256xf32, #tpu.memory_space<vmem>>) dst(%dma_wait3A_74 : memref<128x256xf32, #tpu.memory_space<hbm>>)
      tpu.yield
    }) : () -> ()
    %dma_start3A_26 = arith.constant 2 : i32
    %dma_start3A_27 = arith.constant 0 : i32
    %dma_start3A_28 = tpu.memref_slice %arg5[%dma_start3A_26, %dma_start3A_27] : memref<4x128xi32, #tpu.memory_space<vmem>> -> memref<1x128xi32, #tpu.memory_space<vmem>>
    %dma_start3A_29 = tpu.memref_squeeze %dma_start3A_28 : memref<1x128xi32, #tpu.memory_space<vmem>> -> memref<128xi32, #tpu.memory_space<vmem>>
    %dma_start3A_30 = arith.constant 0 : i32
    %dma_start3A_31 = arith.constant 0 : i32
    %dma_start3A_32 = tpu.memref_slice %arg2[%dma_start3A_30, %dma_start3A_31] : memref<8192x256xf32, #tpu.memory_space<hbm>> -> memref<8192x256xf32, #tpu.memory_space<hbm>>
    tpu.enqueue_indirect_dma source(%dma_start3A_32 : memref<8192x256xf32, #tpu.memory_space<hbm>>) target(%arg6 : memref<128x256xf32, #tpu.memory_space<vmem>>) offsets(%dma_start3A_29 : memref<128xi32, #tpu.memory_space<vmem>>) semaphore(%arg8 : memref<!tpu.dma_semaphore, #tpu.memory_space<semaphore_mem>>)
    %dma_wait3A_33 = arith.constant 1 : i32
    %dma_wait3A_34 = arith.constant 0 : i32
    %dma_wait3A_35 = tpu.memref_slice %arg5[%dma_wait3A_33, %dma_wait3A_34] : memref<4x128xi32, #tpu.memory_space<vmem>> -> memref<1x128xi32, #tpu.memory_space<vmem>>
    %dma_wait3A_36 = tpu.memref_squeeze %dma_wait3A_35 : memref<1x128xi32, #tpu.memory_space<vmem>> -> memref<128xi32, #tpu.memory_space<vmem>>
    %dma_wait3A_37 = arith.constant 0 : i32
    %dma_wait3A_38 = arith.constant 0 : i32
    %dma_wait3A_39 = tpu.memref_slice %arg2[%dma_wait3A_37, %dma_wait3A_38] : memref<8192x256xf32, #tpu.memory_space<hbm>> -> memref<8192x256xf32, #tpu.memory_space<hbm>>
    tpu.wait_indirect_dma semaphore(%arg9 : memref<!tpu.dma_semaphore, #tpu.memory_space<semaphore_mem>>) src(%dma_wait3A_39 : memref<8192x256xf32, #tpu.memory_space<hbm>>) dst(%arg7 : memref<128x256xf32, #tpu.memory_space<vmem>>)
    %add3A_40 = arith.constant 128 : i32
    %add3A_41 = arith.addi %mul3A_2, %add3A_40 : i32
    "tpu.region"() ({
      %run_scoped3A = tpu.sem_alloc : memref<!tpu.dma_semaphore, #tpu.memory_space<semaphore_mem>>
      %dma_start3A_67 = arith.constant 0 : i32
      %dma_start3A_68 = tpu.memref_slice %arg4[%add3A_41, %dma_start3A_67] : memref<16384x256xf32, #tpu.memory_space<hbm>> -> memref<128x256xf32, #tpu.memory_space<hbm>>
      %dma_start3A_69 = arith.constant 0 : i32
      %dma_start3A_70 = tpu.memref_slice %arg4[%add3A_41, %dma_start3A_69] : memref<16384x256xf32, #tpu.memory_space<hbm>> -> memref<128x256xf32, #tpu.memory_space<hbm>>
      tpu.enqueue_dma source(%arg7 : memref<128x256xf32, #tpu.memory_space<vmem>>) target(%dma_start3A_70 : memref<128x256xf32, #tpu.memory_space<hbm>>) target_semaphore(%run_scoped3A : memref<!tpu.dma_semaphore, #tpu.memory_space<semaphore_mem>>)
      %dma_wait3A_71 = arith.constant 0 : i32
      %dma_wait3A_72 = tpu.memref_slice %arg4[%add3A_41, %dma_wait3A_71] : memref<16384x256xf32, #tpu.memory_space<hbm>> -> memref<128x256xf32, #tpu.memory_space<hbm>>
      %dma_wait3A_73 = arith.constant 0 : i32
      %dma_wait3A_74 = tpu.memref_slice %arg4[%add3A_41, %dma_wait3A_73] : memref<16384x256xf32, #tpu.memory_space<hbm>> -> memref<128x256xf32, #tpu.memory_space<hbm>>
      tpu.wait_dma2 semaphore(%run_scoped3A : memref<!tpu.dma_semaphore, #tpu.memory_space<semaphore_mem>>) src(%arg7 : memref<128x256xf32, #tpu.memory_space<vmem>>) dst(%dma_wait3A_74 : memref<128x256xf32, #tpu.memory_space<hbm>>)
      tpu.yield
    }) : () -> ()
    %dma_start3A_42 = arith.constant 3 : i32
    %dma_start3A_43 = arith.constant 0 : i32
    %dma_start3A_44 = tpu.memref_slice %arg5[%dma_start3A_42, %dma_start3A_43] : memref<4x128xi32, #tpu.memory_space<vmem>> -> memref<1x128xi32, #tpu.memory_space<vmem>>
    %dma_start3A_45 = tpu.memref_squeeze %dma_start3A_44 : memref<1x128xi32, #tpu.memory_space<vmem>> -> memref<128xi32, #tpu.memory_space<vmem>>
    %dma_start3A_46 = arith.constant 0 : i32
    %dma_start3A_47 = arith.constant 0 : i32
    %dma_start3A_48 = tpu.memref_slice %arg2[%dma_start3A_46, %dma_start3A_47] : memref<8192x256xf32, #tpu.memory_space<hbm>> -> memref<8192x256xf32, #tpu.memory_space<hbm>>
    tpu.enqueue_indirect_dma source(%dma_start3A_48 : memref<8192x256xf32, #tpu.memory_space<hbm>>) target(%arg7 : memref<128x256xf32, #tpu.memory_space<vmem>>) offsets(%dma_start3A_45 : memref<128xi32, #tpu.memory_space<vmem>>) semaphore(%arg9 : memref<!tpu.dma_semaphore, #tpu.memory_space<semaphore_mem>>)
    %dma_wait3A_49 = arith.constant 2 : i32
    %dma_wait3A_50 = arith.constant 0 : i32
    %dma_wait3A_51 = tpu.memref_slice %arg5[%dma_wait3A_49, %dma_wait3A_50] : memref<4x128xi32, #tpu.memory_space<vmem>> -> memref<1x128xi32, #tpu.memory_space<vmem>>
    %dma_wait3A_52 = tpu.memref_squeeze %dma_wait3A_51 : memref<1x128xi32, #tpu.memory_space<vmem>> -> memref<128xi32, #tpu.memory_space<vmem>>
    %dma_wait3A_53 = arith.constant 0 : i32
    %dma_wait3A_54 = arith.constant 0 : i32
    %dma_wait3A_55 = tpu.memref_slice %arg2[%dma_wait3A_53, %dma_wait3A_54] : memref<8192x256xf32, #tpu.memory_space<hbm>> -> memref<8192x256xf32, #tpu.memory_space<hbm>>
    tpu.wait_indirect_dma semaphore(%arg8 : memref<!tpu.dma_semaphore, #tpu.memory_space<semaphore_mem>>) src(%dma_wait3A_55 : memref<8192x256xf32, #tpu.memory_space<hbm>>) dst(%arg6 : memref<128x256xf32, #tpu.memory_space<vmem>>)
    %add3A_56 = arith.constant 256 : i32
    %add3A_57 = arith.addi %mul3A_2, %add3A_56 : i32
    "tpu.region"() ({
      %run_scoped3A = tpu.sem_alloc : memref<!tpu.dma_semaphore, #tpu.memory_space<semaphore_mem>>
      %dma_start3A_67 = arith.constant 0 : i32
      %dma_start3A_68 = tpu.memref_slice %arg4[%add3A_57, %dma_start3A_67] : memref<16384x256xf32, #tpu.memory_space<hbm>> -> memref<128x256xf32, #tpu.memory_space<hbm>>
      %dma_start3A_69 = arith.constant 0 : i32
      %dma_start3A_70 = tpu.memref_slice %arg4[%add3A_57, %dma_start3A_69] : memref<16384x256xf32, #tpu.memory_space<hbm>> -> memref<128x256xf32, #tpu.memory_space<hbm>>
      tpu.enqueue_dma source(%arg6 : memref<128x256xf32, #tpu.memory_space<vmem>>) target(%dma_start3A_70 : memref<128x256xf32, #tpu.memory_space<hbm>>) target_semaphore(%run_scoped3A : memref<!tpu.dma_semaphore, #tpu.memory_space<semaphore_mem>>)
      %dma_wait3A_71 = arith.constant 0 : i32
      %dma_wait3A_72 = tpu.memref_slice %arg4[%add3A_57, %dma_wait3A_71] : memref<16384x256xf32, #tpu.memory_space<hbm>> -> memref<128x256xf32, #tpu.memory_space<hbm>>
      %dma_wait3A_73 = arith.constant 0 : i32
      %dma_wait3A_74 = tpu.memref_slice %arg4[%add3A_57, %dma_wait3A_73] : memref<16384x256xf32, #tpu.memory_space<hbm>> -> memref<128x256xf32, #tpu.memory_space<hbm>>
      tpu.wait_dma2 semaphore(%run_scoped3A : memref<!tpu.dma_semaphore, #tpu.memory_space<semaphore_mem>>) src(%arg6 : memref<128x256xf32, #tpu.memory_space<vmem>>) dst(%dma_wait3A_74 : memref<128x256xf32, #tpu.memory_space<hbm>>)
      tpu.yield
    }) : () -> ()
    %dma_wait3A_58 = arith.constant 3 : i32
    %dma_wait3A_59 = arith.constant 0 : i32
    %dma_wait3A_60 = tpu.memref_slice %arg5[%dma_wait3A_58, %dma_wait3A_59] : memref<4x128xi32, #tpu.memory_space<vmem>> -> memref<1x128xi32, #tpu.memory_space<vmem>>
    %dma_wait3A_61 = tpu.memref_squeeze %dma_wait3A_60 : memref<1x128xi32, #tpu.memory_space<vmem>> -> memref<128xi32, #tpu.memory_space<vmem>>
    %dma_wait3A_62 = arith.constant 0 : i32
    %dma_wait3A_63 = arith.constant 0 : i32
    %dma_wait3A_64 = tpu.memref_slice %arg2[%dma_wait3A_62, %dma_wait3A_63] : memref<8192x256xf32, #tpu.memory_space<hbm>> -> memref<8192x256xf32, #tpu.memory_space<hbm>>
    tpu.wait_indirect_dma semaphore(%arg9 : memref<!tpu.dma_semaphore, #tpu.memory_space<semaphore_mem>>) src(%dma_wait3A_64 : memref<8192x256xf32, #tpu.memory_space<hbm>>) dst(%arg7 : memref<128x256xf32, #tpu.memory_space<vmem>>)
    %add3A_65 = arith.constant 384 : i32
    %add3A_66 = arith.addi %mul3A_2, %add3A_65 : i32
    "tpu.region"() ({
      %run_scoped3A = tpu.sem_alloc : memref<!tpu.dma_semaphore, #tpu.memory_space<semaphore_mem>>
      %dma_start3A_67 = arith.constant 0 : i32
      %dma_start3A_68 = tpu.memref_slice %arg4[%add3A_66, %dma_start3A_67] : memref<16384x256xf32, #tpu.memory_space<hbm>> -> memref<128x256xf32, #tpu.memory_space<hbm>>
      %dma_start3A_69 = arith.constant 0 : i32
      %dma_start3A_70 = tpu.memref_slice %arg4[%add3A_66, %dma_start3A_69] : memref<16384x256xf32, #tpu.memory_space<hbm>> -> memref<128x256xf32, #tpu.memory_space<hbm>>
      tpu.enqueue_dma source(%arg7 : memref<128x256xf32, #tpu.memory_space<vmem>>) target(%dma_start3A_70 : memref<128x256xf32, #tpu.memory_space<hbm>>) target_semaphore(%run_scoped3A : memref<!tpu.dma_semaphore, #tpu.memory_space<semaphore_mem>>)
      %dma_wait3A_71 = arith.constant 0 : i32
      %dma_wait3A_72 = tpu.memref_slice %arg4[%add3A_66, %dma_wait3A_71] : memref<16384x256xf32, #tpu.memory_space<hbm>> -> memref<128x256xf32, #tpu.memory_space<hbm>>
      %dma_wait3A_73 = arith.constant 0 : i32
      %dma_wait3A_74 = tpu.memref_slice %arg4[%add3A_66, %dma_wait3A_73] : memref<16384x256xf32, #tpu.memory_space<hbm>> -> memref<128x256xf32, #tpu.memory_space<hbm>>
      tpu.wait_dma2 semaphore(%run_scoped3A : memref<!tpu.dma_semaphore, #tpu.memory_space<semaphore_mem>>) src(%arg7 : memref<128x256xf32, #tpu.memory_space<vmem>>) dst(%dma_wait3A_74 : memref<128x256xf32, #tpu.memory_space<hbm>>)
      tpu.yield
    }) : () -> ()
    return
  }
}

module attributes {stable_mosaic.version = 14 : i64} {
  func.func @_finalize_body(%arg0: i32, %arg1: memref<2048x256xf32, #tpu.memory_space<vmem>>, %arg2: memref<2048x256xf32, #tpu.memory_space<vmem>>, %arg3: memref<1x8192xi32, #tpu.memory_space<vmem>>, %arg4: memref<2048x256xf32, #tpu.memory_space<vmem>>, %arg5: memref<1x1xf32, #tpu.memory_space<vmem>>, %arg6: memref<1x2xf32, #tpu.memory_space<vmem>>, %arg7: memref<1x1xf32, #tpu.memory_space<smem>>) attributes {dimension_semantics = [#tpu.dimension_semantics<arbitrary>], iteration_bounds = array<i64: 8>, scalar_prefetch = 0 : i64, scratch_operands = 1 : i64, tpu.core_type = #tpu.core_type<tc>, window_params = [{transform_indices = @transform_0, window_bounds = array<i64: 2048, 256>}, {transform_indices = @transform_1, window_bounds = array<i64: 2048, 256>}, {pipeline_mode = #tpu.pipeline_mode<synchronous>, transform_indices = @transform_2, window_bounds = array<i64: 1, 8192>}, {transform_indices = @transform_3, window_bounds = array<i64: 2048, 256>}, {pipeline_mode = #tpu.pipeline_mode<synchronous>, transform_indices = @transform_4, window_bounds = array<i64: 1, 1>}, {pipeline_mode = #tpu.pipeline_mode<synchronous>, transform_indices = @transform_5, window_bounds = array<i64: 1, 2>}]} {
    %get3A = arith.constant 0 : index
    %get3A_0 = arith.constant 0 : index
    %get3A_1 = vector.load %arg1[%get3A, %get3A_0] : memref<2048x256xf32, #tpu.memory_space<vmem>>, vector<2048x256xf32>
    %get3A_2 = arith.constant 0 : index
    %get3A_3 = arith.constant 0 : index
    %get3A_4 = vector.load %arg2[%get3A_2, %get3A_3] : memref<2048x256xf32, #tpu.memory_space<vmem>>, vector<2048x256xf32>
    %sub3A = arith.subf %get3A_4, %get3A_1 : vector<2048x256xf32>
    %add3A = arith.addf %get3A_1, %sub3A : vector<2048x256xf32>
    %swap3A = arith.constant 0 : index
    %swap3A_5 = arith.constant 0 : index
    %swap3A_6 = vector.load %arg4[%swap3A, %swap3A_5] : memref<2048x256xf32, #tpu.memory_space<vmem>>, vector<2048x256xf32>
    tpu.vector_store %arg4[%swap3A, %swap3A_5], %add3A {strides = array<i32>} : memref<2048x256xf32, #tpu.memory_space<vmem>>, vector<2048x256xf32>,
    %sub3A_7 = arith.subf %get3A_4, %get3A_1 : vector<2048x256xf32>
    %mul3A = arith.mulf %sub3A_7, %sub3A_7 : vector<2048x256xf32>
    %reduce_sum3A = vector.shape_cast %mul3A : vector<2048x256xf32> to vector<1x2048x256xf32>
    %reduce_sum3A_8 = arith.constant dense<0.000000e+00> : vector<1xf32>
    %reduce_sum3A_9 = vector.multi_reduction <add>, %reduce_sum3A, %reduce_sum3A_8 [1, 2] : vector<1x2048x256xf32> to vector<1xf32>
    %reduce_sum3A_10 = vector.shape_cast %reduce_sum3A_9 : vector<1xf32> to vector<1x1x1xf32>
    %reduce_sum3A_11 = vector.extract %reduce_sum3A_10[0, 0, 0] : f32 from vector<1x1x1xf32>
    %eq3A = arith.constant 0 : i32
    %eq3A_12 = arith.cmpi eq, %arg0, %eq3A : i32
    %convert_element_type3A = arith.extui %eq3A_12 : i1 to i32
    %cond3A = arith.constant 0 : i32
    %cond3A_13 = arith.cmpi ne, %convert_element_type3A, %cond3A : i32
    scf.if %cond3A_13 {
      %swap3A_23 = arith.constant 0 : index
      %swap3A_24 = arith.constant 0 : index
      %swap3A_25 = memref.load %arg7[%swap3A_23, %swap3A_24] : memref<1x1xf32, #tpu.memory_space<smem>>
      memref.store %reduce_sum3A_11, %arg7[%swap3A_23, %swap3A_24] : memref<1x1xf32, #tpu.memory_space<smem>>
    } else {
    }
    %gt3A = arith.constant 0 : i32
    %gt3A_14 = arith.cmpi sgt, %arg0, %gt3A : i32
    %convert_element_type3A_15 = arith.extui %gt3A_14 : i1 to i32
    %cond3A_16 = arith.constant 0 : i32
    %cond3A_17 = arith.cmpi ne, %convert_element_type3A_15, %cond3A_16 : i32
    scf.if %cond3A_17 {
      %get3A_23 = arith.constant 0 : index
      %get3A_24 = arith.constant 0 : index
      %get3A_25 = memref.load %arg7[%get3A_23, %get3A_24] : memref<1x1xf32, #tpu.memory_space<smem>>
      %add3A_26 = arith.addf %get3A_25, %reduce_sum3A_11 : f32
      %swap3A_27 = arith.constant 0 : index
      %swap3A_28 = arith.constant 0 : index
      %swap3A_29 = memref.load %arg7[%swap3A_27, %swap3A_28] : memref<1x1xf32, #tpu.memory_space<smem>>
      memref.store %add3A_26, %arg7[%swap3A_27, %swap3A_28] : memref<1x1xf32, #tpu.memory_space<smem>>
    } else {
    }
    %eq3A_18 = arith.constant 7 : i32
    %eq3A_19 = arith.cmpi eq, %arg0, %eq3A_18 : i32
    %convert_element_type3A_20 = arith.extui %eq3A_19 : i1 to i32
    %cond3A_21 = arith.constant 0 : i32
    %cond3A_22 = arith.cmpi ne, %convert_element_type3A_20, %cond3A_21 : i32
    scf.if %cond3A_22 {
      %get3A_23 = arith.constant 0 : index
      %get3A_24 = arith.constant 0 : index
      %get3A_25 = memref.load %arg7[%get3A_23, %get3A_24] : memref<1x1xf32, #tpu.memory_space<smem>>
      %div3A = arith.constant 0x4A800000 : f32
      %div3A_26 = arith.divf %get3A_25, %div3A : f32
      %mul3A_27 = arith.constant 2.500000e-01 : f32
      %mul3A_28 = arith.mulf %mul3A_27, %div3A_26 : f32
      %add3A_29 = arith.addf %div3A_26, %mul3A_28 : f32
      %reshape3A = vector.broadcast %add3A_29 : f32 to vector<1x1xf32>
      %swap3A_30 = arith.constant 0 : index
      %swap3A_31 = arith.constant 0 : index
      %swap3A_32 = vector.load %arg5[%swap3A_30, %swap3A_31] : memref<1x1xf32, #tpu.memory_space<vmem>>, vector<1x1xf32>
      tpu.vector_store %arg5[%swap3A_30, %swap3A_31], %reshape3A {strides = array<i32>} : memref<1x1xf32, #tpu.memory_space<vmem>>, vector<1x1xf32>,
      %get3A_33 = arith.constant 0 : index
      %get3A_34 = arith.constant 0 : index
      %get3A_35 = vector.load %arg3[%get3A_33, %get3A_34] : memref<1x8192xi32, #tpu.memory_space<vmem>>, vector<1x8192xi32>
      %convert_element_type3A_36 = arith.sitofp %get3A_35 : vector<1x8192xi32> to vector<1x8192xf32>
      %div3A_37 = arith.constant 1.638400e+04 : f32
      %div3A_38 = vector.broadcast %div3A_37 : f32 to vector<1x8192xf32>
      %div3A_39 = arith.divf %convert_element_type3A_36, %div3A_38 : vector<1x8192xf32>
      %add3A_40 = arith.constant 1.000000e-10 : f32
      %add3A_41 = vector.broadcast %add3A_40 : f32 to vector<1x8192xf32>
      %add3A_42 = arith.addf %div3A_39, %add3A_41 : vector<1x8192xf32>
      %log3A = math.log %add3A_42 : vector<1x8192xf32>
      %mul3A_43 = arith.mulf %div3A_39, %log3A : vector<1x8192xf32>
      %reduce_sum3A_44 = vector.shape_cast %mul3A_43 : vector<1x8192xf32> to vector<1x1x8192xf32>
      %reduce_sum3A_45 = arith.constant dense<0.000000e+00> : vector<1xf32>
      %reduce_sum3A_46 = vector.multi_reduction <add>, %reduce_sum3A_44, %reduce_sum3A_45 [1, 2] : vector<1x1x8192xf32> to vector<1xf32>
      %reduce_sum3A_47 = vector.shape_cast %reduce_sum3A_46 : vector<1xf32> to vector<1x1x1xf32>
      %reduce_sum3A_48 = vector.extract %reduce_sum3A_47[0, 0, 0] : f32 from vector<1x1x1xf32>
      %neg3A = arith.constant 0.000000e+00 : f32
      %neg3A_49 = arith.subf %neg3A, %reduce_sum3A_48 : f32
      %exp3A = math.exp %neg3A_49 : f32
      %gt3A_50 = arith.constant 0.000000e+00 : f32
      %gt3A_51 = vector.broadcast %gt3A_50 : f32 to vector<1x8192xf32>
      %gt3A_52 = arith.cmpf ogt, %convert_element_type3A_36, %gt3A_51 : vector<1x8192xf32>
      %convert_element_type3A_53 = arith.extui %gt3A_52 : vector<1x8192xi1> to vector<1x8192xi32>
      %convert_element_type3A_54 = arith.sitofp %convert_element_type3A_53 : vector<1x8192xi32> to vector<1x8192xf32>
      %reduce_sum3A_55 = vector.shape_cast %convert_element_type3A_54 : vector<1x8192xf32> to vector<1x1x8192xf32>
      %reduce_sum3A_56 = arith.constant dense<0.000000e+00> : vector<1xf32>
      %reduce_sum3A_57 = vector.multi_reduction <add>, %reduce_sum3A_55, %reduce_sum3A_56 [1, 2] : vector<1x1x8192xf32> to vector<1xf32>
      %reduce_sum3A_58 = vector.shape_cast %reduce_sum3A_57 : vector<1xf32> to vector<1x1x1xf32>
      %reduce_sum3A_59 = vector.extract %reduce_sum3A_58[0, 0, 0] : f32 from vector<1x1x1xf32>
      %reshape3A_60 = vector.broadcast %exp3A : f32 to vector<1x1xf32>
      %reshape3A_61 = vector.broadcast %reduce_sum3A_59 : f32 to vector<1x1xf32>
      %concatenate3A = tpu.concatenate %reshape3A_60, %reshape3A_61 in 1 : vector<1x1xf32>, vector<1x1xf32> -> vector<1x2xf32>
      %swap3A_62 = arith.constant 0 : index
      %swap3A_63 = arith.constant 0 : index
      %swap3A_64 = vector.load %arg6[%swap3A_62, %swap3A_63] : memref<1x2xf32, #tpu.memory_space<vmem>>, vector<1x2xf32>
      tpu.vector_store %arg6[%swap3A_62, %swap3A_63], %concatenate3A {strides = array<i32>} : memref<1x2xf32, #tpu.memory_space<vmem>>, vector<1x2xf32>,
    } else {
    }
    return
  }
  func.func @transform_0(%arg0: i32) -> (i32, i32) {
    %c0_i32 = arith.constant 0 : i32
    %c0_i32_0 = arith.constant 0 : i32
    return %arg0, %c0_i32 : i32, i32
  }
  func.func @transform_1(%arg0: i32) -> (i32, i32) {
    %c0_i32 = arith.constant 0 : i32
    %c0_i32_0 = arith.constant 0 : i32
    return %arg0, %c0_i32 : i32, i32
  }
  func.func @transform_2(%arg0: i32) -> (i32, i32) {
    %c0_i32 = arith.constant 0 : i32
    %c0_i32_0 = arith.constant 0 : i32
    %c0_i32_1 = arith.constant 0 : i32
    return %c0_i32, %c0_i32_0 : i32, i32
  }
  func.func @transform_3(%arg0: i32) -> (i32, i32) {
    %c0_i32 = arith.constant 0 : i32
    %c0_i32_0 = arith.constant 0 : i32
    return %arg0, %c0_i32 : i32, i32
  }
  func.func @transform_4(%arg0: i32) -> (i32, i32) {
    %c0_i32 = arith.constant 0 : i32
    %c0_i32_0 = arith.constant 0 : i32
    %c0_i32_1 = arith.constant 0 : i32
    return %c0_i32, %c0_i32_0 : i32, i32
  }
  func.func @transform_5(%arg0: i32) -> (i32, i32) {
    %c0_i32 = arith.constant 0 : i32
    %c0_i32_0 = arith.constant 0 : i32
    %c0_i32_1 = arith.constant 0 : i32
    return %c0_i32, %c0_i32_0 : i32, i32
  }
}

</mosaic_0001>

<sc_bundles>
// kernel: kernel.4.cloned.1.call-start
scs
__scs_entry_jumppad:
0x0: {  	(pc) =	sbr.rel $0x88, $3  }
0x1: {  	(tag) =	ssettag $0x0;
	lr =	simm.s32 $0x1  }
0x2: {  	[smem:$0x3F9F] =	sst lr;
	_ =	strace $0xD0000000  }
0x3: {  	_ = 	snop  }
0x4: {  	_ = 	snop  }
0x5: {  	_ = 	snop  }
0x6: {  	_ = 	snop  }
0x7: {  	_ = 	snop  }
__scs_overlays_trampoline_lowered:
0x8: {  	[smem:$0x3FAE] =	sst s0  }
0x9: {  	[smem:$0x3FAF] =	sst s1  }
0xa: {  	[smem:$0x3FB0] =	sst s2  }
0xb: {  	[smem:$0x3FB1] =	sst s3  }
0xc: {  	[smem:$0x3FB2] =	sst s4  }
0xd: {  	[smem:$0x3FB3] =	sst s5  }
0xe: {  	[smem:$0x3FB4] =	sst s6  }
0xf: {  	[smem:$0x3FB5] =	sst s7  }
0x10: {  	[smem:$0x3FB6] =	sst s8  }
0x11: {  	[smem:$0x3FB7] =	sst s9;
	s0 =	simm.s32 @!p0 $0x0  }
0x12: {  	s1 =	sld [smem:$0x3F9D];
	s0 =	simm.s32 @p0 $0x1  }
0x13: {  	[smem:$0x3FB8] =	sst s0;
	s0 =	simm.s32 @!p1 $0x0  }
0x14: {  	s2 =	sld [smem:$0x3F9C];
	s0 =	simm.s32 @p1 $0x1  }
0x15: {  	[smem:$0x3FB9] =	sst s0;
	s0 =	simm.s32 @!p2 $0x0  }
0x16: {  	s3 =	sld [smem:$0x3FDB];
	s0 =	simm.s32 @p2 $0x1  }
0x17: {  	s4 =	simm.s32 $0x1BF5;
	[smem:$0x3FBB] =	sst s0  }
0x18: {  	s0 =	sld [smem:$0x3F9E];
	_ =	swait.ge [sflag:s4], $0x0  }
0x19: {  	s7 =	sld [smem:$0x3F9F]  }
0x1a: {  	s8 =	sadd.s32 $0xFFFFE003, lr  }
0x1b: {  	s9 =	sadd.s32 $0xFFFFFEF7, lr;
	s5 =	simm.s32 $0xFFFFFFFF;
	p2 =	slt.u32 s8, $0xFFFFF086  }
0x1c: {  	p1 =	slt.u32 s9, $0xF7A;
	s5 =	simm.s32 @!p2 $0x0  }
0x1d: {  	s5 =	simm.s32 @p1 $0x1;
	p0 =	seq.s32 s7, s2  }
0x1e: {  	s7 =	smul.u32 @!p0 $0xF7A, s2;
	p2 =	seq.s32 @!p0 s5, $0x0  }
0x1f: {  	s9 =	smul.u32 $0xF7A, s1;
	s8 =	simm.s32 @!p0 $0x1BF5;
	p2 =	por !p2, p0  }
0x20: {  	[sflag:s8] =	ssyncset.s32 @!p0 $0xFFFFF086;
	s6 =	sadd.s32 @!p0 s3, s7;
	s7 =	simm.s32 @!p0 $0x108  }
0x21: {  	s3 =	sadd.s32 s3, s9;
	s6 =	sadd.s32 @!p0 $0x88, s6;
	s7 =	simm.s32 @p2 $0x1082  }
0x22: {  	[simem:s7], [sflag:s8] =	dma.local @!p0 [hbm:s6], $0xF7A  }
0x23: {  	s9 =	sor.u32 $0xD0000000, s2;
	s6 =	simm.s32 $0x108;
	_ =	swait.ge @!p0 [sflag:s8], $0x0  }
0x24: {  	s3 =	sadd.s32 $0x88, s3;
	s6 =	simm.s32 @!p1 $0x1082;
	[sflag:s4] =	ssyncset.s32 $0xFFFFF086  }
0x25: {  	[simem:s6], [sflag:s4] =	dma.local [hbm:s3], $0xF7A  }
0x26: {  	[smem:$0x3F9F] =	sst s1;
	(tag) =	ssettag s2;
	_ =	strace s9  }
0x27: {  	s1 =	sld [smem:$0x3FAF]  }
0x28: {  	s2 =	sld [smem:$0x3FB0]  }
0x29: {  	s4 =	sld [smem:$0x3FB2]  }
0x2a: {  	p0 =	seq.s32 s5, $0x0;
	s5 =	sld [smem:$0x3FB3]  }
0x2b: {  	s6 =	sld [smem:$0x3FB4]  }
0x2c: {  	s7 =	sld [smem:$0x3FB5]  }
0x2d: {  	s3 =	simm.s32 $0x108;
	s8 =	sld [smem:$0x3FB6]  }
0x2e: {  	s3 =	simm.s32 @!p0 $0x1082;
	s9 =	sld [smem:$0x3FB7]  }
0x2f: {  	lr =	sadd.s32 s0, s3;
	s0 =	sld [smem:$0x3FAE]  }
0x30: {  	s3 =	sld [smem:$0x3FB1]  }
0x31: {  	[smem:$0x3FBA] =	sst s10  }
0x32: {  	s10 =	sld [smem:$0x3FB8];
	_ =	sdelay $0x3  }
0x33: {  	p0 =	seq.s32 s10, $0x1;
	s10 =	sld [smem:$0x3FBA];
	_ =	sdelay $0x3  }
0x34: {  	[smem:$0x3FBA] =	sst s10  }
0x35: {  	s10 =	sld [smem:$0x3FB9];
	_ =	sdelay $0x3  }
0x36: {  	p1 =	seq.s32 s10, $0x1;
	s10 =	sld [smem:$0x3FBA];
	_ =	sdelay $0x3  }
0x37: {  	[smem:$0x3FBA] =	sst s10  }
0x38: {  	s10 =	sld [smem:$0x3FBB]  }
0x39: {  	_ = 	snop;
	(pc) =	sbr.ind lr, $3  }
0x3a: {  	_ = 	snop  }
0x3b: {  	_ = 	snop  }
0x3c: {  	p2 =	seq.s32 s10, $0x1;
	s10 =	sld [smem:$0x3FBA]  }
0x3d: {  	_ =	shalt  }
0x3e: {  	_ =	shalt  }
0x3f: {  	_ =	shalt  }
0x40: {  	_ =	shalt  }
0x41: {  	_ =	shalt  }
0x42: {  	_ =	shalt  }
0x43: {  	_ =	shalt  }
0x44: {  	_ =	shalt  }
0x45: {  	_ =	shalt  }
0x46: {  	_ =	shalt  }
0x47: {  	_ =	shalt  }
0x48: {  	_ =	shalt  }
0x49: {  	_ =	shalt  }
0x4a: {  	_ =	shalt  }
0x4b: {  	_ =	shalt  }
0x4c: {  	_ =	shalt  }
0x4d: {  	_ =	shalt  }
0x4e: {  	_ =	shalt  }
0x4f: {  	_ =	shalt  }
0x50: {  	_ =	shalt  }
0x51: {  	_ =	shalt  }
0x52: {  	_ =	shalt  }
0x53: {  	_ =	shalt  }
0x54: {  	_ =	shalt  }
0x55: {  	_ =	shalt  }
0x56: {  	_ =	shalt  }
0x57: {  	_ =	shalt  }
0x58: {  	_ =	shalt  }
0x59: {  	_ =	shalt  }
0x5a: {  	_ =	shalt  }
0x5b: {  	_ =	shalt  }
0x5c: {  	_ =	shalt  }
0x5d: {  	_ =	shalt  }
0x5e: {  	_ =	shalt  }
0x5f: {  	_ =	shalt  }
0x60: {  	_ =	shalt  }
0x61: {  	_ =	shalt  }
0x62: {  	_ =	shalt  }
0x63: {  	_ =	shalt  }
0x64: {  	_ =	shalt  }
0x65: {  	_ =	shalt  }
0x66: {  	_ =	shalt  }
0x67: {  	_ =	shalt  }
0x68: {  	_ =	shalt  }
0x69: {  	_ =	shalt  }
0x6a: {  	_ =	shalt  }
0x6b: {  	_ =	shalt  }
0x6c: {  	_ =	shalt  }
0x6d: {  	_ =	shalt  }
0x6e: {  	_ =	shalt  }
0x6f: {  	_ =	shalt  }
0x70: {  	_ =	shalt  }
0x71: {  	_ =	shalt  }
0x72: {  	_ =	shalt  }
0x73: {  	_ =	shalt  }
0x74: {  	_ =	shalt  }
0x75: {  	_ =	shalt  }
0x76: {  	_ =	shalt  }
0x77: {  	_ =	shalt  }
0x78: {  	_ =	shalt  }
0x79: {  	_ =	shalt  }
0x7a: {  	_ =	shalt  }
0x7b: {  	_ =	shalt  }
0x7c: {  	_ =	shalt  }
0x7d: {  	_ =	shalt  }
0x7e: {  	_ =	shalt  }
0x7f: {  	_ =	shalt  }
0x80: {  	_ =	shalt  }
0x81: {  	_ =	shalt  }
0x82: {  	_ =	shalt  }
0x83: {  	_ =	shalt  }
0x84: {  	_ =	shalt  }
0x85: {  	_ =	shalt  }
0x86: {  	_ =	shalt  }
0x87: {  	_ =	shalt  }
.Lfunc_end0:
.L_simem_size_0:
called_computation.1_lowered:
.L_overlay_start_0:
0x88: {  	s2 =	sld [smem:$0x3FD9]  }
0x89: {  	s3 =	sld [smem:$0x3FFE];
	_ =	sdelay $0x1  }
0x8a: {  	s1 =	srdreg.scid  }
0x8b: {  	s0 =	sand.u32 $0x1, s1  }
0x8c: {  	s15 =	sshll.u32 s0, $0xA;
	s2 =	sadd.s32 s3, s2  }
0x8d: {  	s2 =	sadd.s32 s2, s15  }
0x8e: {  	[smem:$0x3FC6] =	sst s2  }
0x8f: {  	_ = 	snop  }
0x90: {  	s16 =	sld [smem:$0x3FD0];
	_ =	sdelay $0x2  }
0x91: {  	s4 =	simm.s32 $0xB;
	s5 =	simm.s32 $0x10;
	s2 =	sld [smem:$0x3FC8]  }
0x92: {  	[smem:s5], [sflag:s4] =	dma.local [hbm:s16], $0x1  }
0x93: {  	_ =	swait.eq [sflag:s4], $0x1  }
0x94: {  	[sflag:s4] =	ssyncset.done $0x0  }
0x95: {  	[sflag:s4] =	ssyncadd.s32 $0xFFFFFFFF  }
0x96: {  	s17 =	sld [smem:$0x11];
	(tm) =	ssettm $0x1  }
0x97: {  	s18 =	sld [smem:$0x3FFB];
	_ =	sdelay $0x3  }
0x98: {  	_ =	strace s18  }
0x99: {  	s3 =	sld [smem:$0x3FFC];
	_ =	sdelay $0x3  }
0x9a: {  	_ =	strace s3  }
0x9b: {  	s3 =	sld [smem:$0x3FFD];
	_ =	sdelay $0x3  }
0x9c: {  	_ =	strace s3  }
0x9d: {  	_ =	strace $0x8FFFFFFF  }
0x9e: {  	s19 =	sld [smem:$0x3FDB];
	_ =	sdelay $0x1  }
0x9f: {  	s20 =	simm.s32 $_scs_section_size  }
0xa0: {  	s6 =	simm.s32 $_size__tile_overlayer_lowered;
	s7 =	simm.s32 $_tile_overlayer_lowered  }
0xa1: {  	s8 =	simm.s32 $0x1BFF;
	s21 =	sshll.u32 s7, $0x1;
	s5 =	sadd.s32 s20, s19  }
0xa2: {  	s22 =	simm.s32 $0x0;
	s6 =	sshll.u32 s6, $0x1;
	s7 =	sadd.s32 s21, s5  }
0xa3: {  	[timem:s22], [sflag:s8] =	dma.local [hbm:s7], s6  }
0xa4: {  	_ =	swait.ge [sflag:s8], s6  }
0xa5: {  	s6 =	ssub.s32 $0x0, s6;
	[sflag:s8] =	ssyncset.done $0x0  }
0xa6: {  	[sflag:s8] =	ssyncadd.s32 s6;
	_ =	sdelay $0x1  }
0xa7: {  	s23 =	simm.s32 $0x1B8B  }
0xa8: {  	_ =	swait.ge [sflag:s23], $0x1  }
0xa9: {  	[sflag:s23] =	ssyncset.done $0x0  }
0xaa: {  	[sflag:s23] =	ssyncadd.s32 $0xFFFFFFFF  }
0xab: {  	s6 =	sld [smem:$0x0]  }
0xac: {  	s7 =	sand.u32 $0xFFFFFFFE, s1  }
0xad: {  	p0 =	sne.s32 s1, s7  }
0xae: {  	s7 =	sshll.u32 @p0 s7, $0xE  }
0xaf: {  	s7 =	sadd.s32 @p0 $0x11B8D, s7;
	s8 =	sshll.u32 @p0 s6, $0x11  }
0xb0: {  	s7 =	sor.u32 @p0 s8, s7  }
0xb1: {  	[sflag:s7] =	ssyncadd.remote.s32 @p0 $0x1;
	_ =	sdelay $0x1  }
0xb2: {  	s7 =	simm.s32 @p0 $0x1B8D  }
0xb3: {  	_ =	swait.eq @p0 [sflag:s7], $0x1  }
0xb4: {  	[sflag:s7] =	ssyncadd.s32 @p0 $0xFFFFFFFF  }
0xb5: {  	s8 =	sshll.u32 @!p0 s1, $0xE  }
0xb6: {  	s8 =	sor.u32 @!p0 $0x4000, s8;
	s7 =	simm.s32 @!p0 $0x1B8D  }
0xb7: {  	s6 =	sshll.u32 @!p0 s6, $0x11;
	s8 =	sadd.s32 @!p0 $0x11B8D, s8;
	_ =	swait.eq @!p0 [sflag:s7], $0x1  }
0xb8: {  	s6 =	sor.u32 @!p0 s6, s8;
	[sflag:s7] =	ssyncadd.s32 @!p0 $0xFFFFFFFF  }
0xb9: {  	s25 =	simm.s32 $0x1B8E;
	s24 =	sld [smem:$0x3FFE];
	[sflag:s6] =	ssyncadd.remote.s32 @!p0 $0x1  }
0xba: {  	s26 =	simm.s32 $execute0_lowered;
	[smem:$0x3FD2] =	sst s25  }
0xbb: {  	s7 =	sshll.u32 s26, $0x1;
	_ =	strace $0x80000049;
	[dreg:$0x1] =	wrdreg $0xFFFFFFFF  }
0xbc: {  	s28 =	simm.s32 $_size_execute0_lowered;
	s5 =	sadd.s32 s5, s7;
	[dreg:$0x0] =	wrdreg $0x0  }
0xbd: {  	s7 =	sshll.u32 s28, $0x1;
	[dreg:$0x2] =	wrdreg s5  }
0xbe: {  	[dreg:$0x3] =	wrdreg s7  }
0xbf: {  	[dreg:$0x4] =	wrdreg $0xC0  }
0xc0: {  	_ =	task [dreg:s22], $0x5FFFF  }
0xc1: {  	[dreg:$0x1] =	wrdreg $0xFFFFFFFF  }
0xc2: {  	[dreg:$0x0] =	wrdreg $0x60  }
0xc3: {  	[dreg:$0x2] =	wrdreg s2  }
0xc4: {  	[dreg:$0x3] =	wrdreg s17  }
0xc5: {  	[dreg:$0x4] =	wrdreg s24  }
0xc6: {  	[dreg:$0x5] =	wrdreg $0xA  }
0xc7: {  	_ =	task.clear_ibuf [dreg:s22], $0x6FFFF;
	_ =	strace $0x90000049  }
0xc8: {  	s29 =	simm.s32 $0xA;
	_ =	strace $0x8000004B  }
0xc9: {  	_ =	swait.ge [sflag:s29], $0x1  }
0xca: {  	[sflag:s29] =	ssyncadd.s32 $0xFFFFFFFF  }
0xcb: {  	_ =	strace $0x9000004B  }
0xcc: {  	_ =	sfence  }
0xcd: {  	s30 =	sld [smem:$0x0];
	_ =	sdelay $0x2  }
0xce: {  	s31 =	sshll.u32 s1, $0xD;
	s1 =	sshrl.u32 s1, $0x2  }
0xcf: {  	s4 =	sand.u32 $0x4000, s31;
	s1 =	sadd.s32 s1, s30  }
0xd0: {  	s0 =	sor.u32 s4, s0;
	s1 =	sshll.u32 s1, $0x11  }
0xd1: {  	s0 =	sor.u32 s1, s0  }
0xd2: {  	s0 =	sadd.s32 $0x8F2B, s0  }
0xd3: {  	[sflag:s0] =	ssyncadd.remote.s32 $0x1  }
0xd4: {  	_ =	sfence.sel $0xFFFF  }
0xd5: {  	[dreg:$0x0] =	wrdreg $0xFFFFFFFF;
	(pc) =	sbr.abs _section_cstart, $3  }
0xd6: {  	[dreg:$0x1] =	wrdreg $0xFFFFFFFF  }
0xd7: {  	_ =	task.clear_ibuf [dreg:s22], $0x2FFFF;
	_ =	strace $0x9FFFFFFF  }
0xd8: {  	(tm) =	ssettm $0x7FFFFFFF  }
0xd9: {  	_ =	shalt  }
tec
execute0_lowered:
.L_overlay_start_1:
0x0: {  	(tag) =	ssettag $0x1  }
0x1: {  	s1 =	rddreg [dreg:$0x0]  }
0x2: {  	s0 =	rddreg [dreg:$0x1];
	s2 =	srdreg.scid  }
0x3: {  	s4 =	rddreg [dreg:$0x2];
	s6 =	stileid.u32  }
0x4: {  	s3 =	simm.s32 $0x0;
	s13 =	simm.s32 $0x2;
	s15 =	simm.s32 $0xA00  }
0x5: {  	s16 =	simm.s32 $0x1200;
	s17 =	simm.s32 $0x1A00;
	s18 =	simm.s32 $0x2200  }
0x6: {  	s19 =	simm.s32 $0x2A00;
	s20 =	simm.s32 $0x3200;
	s21 =	simm.s32 $0x3A00  }
0x7: {  	s28 =	simm.s32 $0x6200;
	s29 =	simm.s32 $0x6A00;
	s30 =	simm.s32 $0x7200  }
0x8: {  	s31 =	simm.s32 $0x7A00;
	s8 =	simm.s32 $0xA200;
	s9 =	simm.s32 $0xAA00  }
0x9: {  	s10 =	simm.s32 $0xB200;
	s2 =	sand.u32 $0x1, s2;
	[smem:$0x7FF] =	sst s3  }
0xa: {  	s11 =	simm.s32 $0xBA00;
	s5 =	sshll.u32 s2, $0x4;
	_ =	strace $0x8000004A  }
0xb: {  	s2 =	ssub.s32 $0x2, s2;
	s5 =	sor.u32 s6, s5;
	s6 =	sshll.u32 s6, $0x6  }
0xc: {  	s25 =	sshrl.u32 s2, $0x1;
	s7 =	sshll.u32 s5, $0x6;
	s6 =	sand.u32 $0x40, s6  }
0xd: {  	s5 =	sshll.u32 s5, $0xE;
	s7 =	sand.u32 $0x780, s7;
	s0 =	sadd.s32 s0, s6  }
0xe: {  	s2 =	ssub.s32 s2, s25;
	s4 =	sadd.s32 s5, s4;
	s0 =	sadd.s32 s7, s0  }
0xf: {  	s25 =	simm.s32 $0x5200;
	s22 =	sadd.s32 $0xC00, s4;
	[dreg:$0x4] =	wrdreg s0  }
0x10: {  	s5 =	simm.s32 $0x3;
	s23 =	sadd.s32 $0x1C00, s4;
	[dreg:$0x5] =	wrdreg s22  }
0x11: {  	s24 =	sadd.s32 $0x2C00, s4;
	s26 =	sadd.s32 $0x3C00, s4;
	[dreg:$0x6] =	wrdreg s23  }
0x12: {  	v2 =	vlaneseq.u32;
	s4 =	smax.u32 s2, $0x1;
	s2 =	simm.s32 $0x1;
	[dreg:$0x7] =	wrdreg s24  }
0x13: {  	vm0 =	vmmov $0xffff;
	v1 =	vshrl.u32 v2, $0x3;
	s7 =	simm.s32 $0x9A00;
	[dreg:$0x8] =	wrdreg s26;
	s23 =	simm.s32 $0x4200  }
0x14: {  	v0 =	vand.u32 $0x7, v2;
	v2 =	vor.u32 $0x8, v2;
	v1 =	vmul.u32 $0x8, v1;
	s24 =	simm.s32 $0x4A00;
	s26 =	simm.s32 $0x5A00;
	s22 =	simm.s32 $0x8A00  }
.LBB2_1:
0x15: {  	s14 =	rddreg [dreg:$0x4]  }
0x16: {  	[tilespmem:s3], [sflag:$0x3] =	stream.linear.gather [hbm4b:s14+s3], $0x200, $0x38;
	[tilespmem:$0x10200] =	vst v63  }
0x17: {  	_ =	swait.ge [sflag:s5], $0x200  }
0x18: {  	[sflag:s5] =	ssyncset.done $0x0  }
0x19: {  	[sflag:s5] =	ssyncadd.s32 $0xFFFFFE00  }
0x1a: {  	v3 =	vld [tilespmem:$0x0];
	_ =	sdelay $0x4  }
0x1b: {  	v4 =	vshll.u32 v3, $0x1  }
0x1c: {  	v3 =	vand.u32 $0x7, v3;
	v4 =	vand.u32 $0xFFFFFFF0, v4  }
0x1d: {  	v3 =	vor.u32 v3, v4  }
0x1e: {  	v4 =	vperm.xlane v3, v0;
	_ =	sdelay $0x1  }
0x1f: {  	v3 =	vperm.xlane v3, v2;
	v4 =	vadd.s32 v1, v4;
	_ =	sdelay $0x1  }
0x20: {  	v3 =	vadd.s32 v1, v3;
	_ =	sdelay $0x1  }
0x21: {  	s0 =	simm.s32 $0x200  }
0x22: {  	[tilespmem:s0], [sflag:$0x1] =	stream.indirect_vreg.gather [hbm4b:s1+s3], $0x80, v4, vm0, $0xb8;
	[tilespmem:$0x10200] =	vst v63  }
0x23: {  	_ = 	snop  }
0x24: {  	[tilespmem:s15], [sflag:$0x1] =	stream.indirect_vreg.gather [hbm4b:s1+s3], $0x80, v3, vm0, $0xb8;
	[tilespmem:$0x10200] =	vst v63  }
0x25: {  	v3 =	vld [tilespmem:$0x10];
	_ =	sdelay $0x4  }
0x26: {  	v33 =	vshll.u32 v3, $0x1  }
0x27: {  	v3 =	vand.u32 $0x7, v3;
	v4 =	vand.u32 $0xFFFFFFF0, v33  }
0x28: {  	v3 =	vor.u32 v3, v4  }
0x29: {  	v4 =	vperm.xlane v3, v0;
	_ =	sdelay $0x1  }
0x2a: {  	v3 =	vperm.xlane v3, v2;
	v4 =	vadd.s32 v1, v4;
	_ =	sdelay $0x1  }
0x2b: {  	v3 =	vadd.s32 v1, v3;
	_ =	sdelay $0x2  }
0x2c: {  	[tilespmem:s16], [sflag:$0x1] =	stream.indirect_vreg.gather [hbm4b:s1+s3], $0x80, v4, vm0, $0xb8;
	[tilespmem:$0x10200] =	vst v63  }
0x2d: {  	_ = 	snop  }
0x2e: {  	[tilespmem:s17], [sflag:$0x1] =	stream.indirect_vreg.gather [hbm4b:s1+s3], $0x80, v3, vm0, $0xb8;
	[tilespmem:$0x10200] =	vst v63  }
0x2f: {  	v3 =	vld [tilespmem:$0x20];
	_ =	sdelay $0x4  }
0x30: {  	v34 =	vshll.u32 v3, $0x1  }
0x31: {  	v3 =	vand.u32 $0x7, v3;
	v4 =	vand.u32 $0xFFFFFFF0, v34  }
0x32: {  	v3 =	vor.u32 v3, v4  }
0x33: {  	v4 =	vperm.xlane v3, v0;
	_ =	sdelay $0x1  }
0x34: {  	v3 =	vperm.xlane v3, v2;
	v4 =	vadd.s32 v1, v4;
	_ =	sdelay $0x1  }
0x35: {  	v3 =	vadd.s32 v1, v3;
	_ =	sdelay $0x2  }
0x36: {  	[tilespmem:s18], [sflag:$0x1] =	stream.indirect_vreg.gather [hbm4b:s1+s3], $0x80, v4, vm0, $0xb8;
	[tilespmem:$0x10200] =	vst v63  }
0x37: {  	_ = 	snop  }
0x38: {  	[tilespmem:s19], [sflag:$0x1] =	stream.indirect_vreg.gather [hbm4b:s1+s3], $0x80, v3, vm0, $0xb8;
	[tilespmem:$0x10200] =	vst v63  }
0x39: {  	v3 =	vld [tilespmem:$0x30];
	_ =	sdelay $0x4  }
0x3a: {  	v35 =	vshll.u32 v3, $0x1  }
0x3b: {  	v3 =	vand.u32 $0x7, v3;
	v4 =	vand.u32 $0xFFFFFFF0, v35  }
0x3c: {  	v3 =	vor.u32 v3, v4  }
0x3d: {  	v4 =	vperm.xlane v3, v0;
	_ =	sdelay $0x1  }
0x3e: {  	v3 =	vperm.xlane v3, v2;
	v4 =	vadd.s32 v1, v4;
	_ =	sdelay $0x1  }
0x3f: {  	v3 =	vadd.s32 v1, v3;
	_ =	sdelay $0x2  }
0x40: {  	[tilespmem:s20], [sflag:$0x1] =	stream.indirect_vreg.gather [hbm4b:s1+s3], $0x80, v4, vm0, $0xb8;
	[tilespmem:$0x10200] =	vst v63  }
0x41: {  	_ = 	snop  }
0x42: {  	[tilespmem:s21], [sflag:$0x1] =	stream.indirect_vreg.gather [hbm4b:s1+s3], $0x80, v3, vm0, $0xb8;
	[tilespmem:$0x10200] =	vst v63  }
0x43: {  	v3 =	vld [tilespmem:$0x40];
	_ =	sdelay $0x4  }
0x44: {  	v36 =	vshll.u32 v3, $0x1  }
0x45: {  	v3 =	vand.u32 $0x7, v3;
	v4 =	vand.u32 $0xFFFFFFF0, v36  }
0x46: {  	v3 =	vor.u32 v3, v4  }
0x47: {  	v4 =	vperm.xlane v3, v0;
	_ =	sdelay $0x1  }
0x48: {  	v3 =	vperm.xlane v3, v2;
	v4 =	vadd.s32 v1, v4;
	_ =	sdelay $0x1  }
0x49: {  	v3 =	vadd.s32 v1, v3;
	_ =	sdelay $0x2  }
0x4a: {  	[tilespmem:s23], [sflag:$0x1] =	stream.indirect_vreg.gather [hbm4b:s1+s3], $0x80, v4, vm0, $0xb8;
	[tilespmem:$0x10200] =	vst v63  }
0x4b: {  	_ = 	snop  }
0x4c: {  	[tilespmem:s24], [sflag:$0x1] =	stream.indirect_vreg.gather [hbm4b:s1+s3], $0x80, v3, vm0, $0xb8;
	[tilespmem:$0x10200] =	vst v63  }
0x4d: {  	v3 =	vld [tilespmem:$0x50];
	_ =	sdelay $0x4  }
0x4e: {  	v37 =	vshll.u32 v3, $0x1  }
0x4f: {  	v3 =	vand.u32 $0x7, v3;
	v4 =	vand.u32 $0xFFFFFFF0, v37  }
0x50: {  	v3 =	vor.u32 v3, v4  }
0x51: {  	v4 =	vperm.xlane v3, v0;
	_ =	sdelay $0x1  }
0x52: {  	v3 =	vperm.xlane v3, v2;
	v4 =	vadd.s32 v1, v4;
	_ =	sdelay $0x1  }
0x53: {  	v3 =	vadd.s32 v1, v3;
	_ =	sdelay $0x2  }
0x54: {  	[tilespmem:s25], [sflag:$0x1] =	stream.indirect_vreg.gather [hbm4b:s1+s3], $0x80, v4, vm0, $0xb8;
	[tilespmem:$0x10200] =	vst v63  }
0x55: {  	_ = 	snop  }
0x56: {  	[tilespmem:s26], [sflag:$0x1] =	stream.indirect_vreg.gather [hbm4b:s1+s3], $0x80, v3, vm0, $0xb8;
	[tilespmem:$0x10200] =	vst v63  }
0x57: {  	v3 =	vld [tilespmem:$0x60];
	_ =	sdelay $0x4  }
0x58: {  	v38 =	vshll.u32 v3, $0x1  }
0x59: {  	v3 =	vand.u32 $0x7, v3;
	v4 =	vand.u32 $0xFFFFFFF0, v38  }
0x5a: {  	v3 =	vor.u32 v3, v4  }
0x5b: {  	v4 =	vperm.xlane v3, v0;
	_ =	sdelay $0x1  }
0x5c: {  	v3 =	vperm.xlane v3, v2;
	v4 =	vadd.s32 v1, v4;
	_ =	sdelay $0x1  }
0x5d: {  	v3 =	vadd.s32 v1, v3;
	_ =	sdelay $0x2  }
0x5e: {  	[tilespmem:s28], [sflag:$0x1] =	stream.indirect_vreg.gather [hbm4b:s1+s3], $0x80, v4, vm0, $0xb8;
	[tilespmem:$0x10200] =	vst v63  }
0x5f: {  	_ = 	snop  }
0x60: {  	[tilespmem:s29], [sflag:$0x1] =	stream.indirect_vreg.gather [hbm4b:s1+s3], $0x80, v3, vm0, $0xb8;
	[tilespmem:$0x10200] =	vst v63  }
0x61: {  	v3 =	vld [tilespmem:$0x70];
	_ =	sdelay $0x4  }
0x62: {  	v39 =	vshll.u32 v3, $0x1  }
0x63: {  	v3 =	vand.u32 $0x7, v3;
	v4 =	vand.u32 $0xFFFFFFF0, v39  }
0x64: {  	v3 =	vor.u32 v3, v4  }
0x65: {  	v4 =	vperm.xlane v3, v0;
	_ =	sdelay $0x1  }
0x66: {  	v3 =	vperm.xlane v3, v2;
	v4 =	vadd.s32 v1, v4;
	_ =	sdelay $0x1  }
0x67: {  	v3 =	vadd.s32 v1, v3;
	_ =	sdelay $0x2  }
0x68: {  	[tilespmem:s30], [sflag:$0x1] =	stream.indirect_vreg.gather [hbm4b:s1+s3], $0x80, v4, vm0, $0xb8;
	[tilespmem:$0x10200] =	vst v63  }
0x69: {  	_ = 	snop  }
0x6a: {  	[tilespmem:s31], [sflag:$0x1] =	stream.indirect_vreg.gather [hbm4b:s1+s3], $0x80, v3, vm0, $0xb8;
	[tilespmem:$0x10200] =	vst v63  }
0x6b: {  	v3 =	vld [tilespmem:$0x80];
	_ =	sdelay $0x4  }
0x6c: {  	v40 =	vshll.u32 v3, $0x1  }
0x6d: {  	v3 =	vand.u32 $0x7, v3;
	v4 =	vand.u32 $0xFFFFFFF0, v40  }
0x6e: {  	v3 =	vor.u32 v3, v4  }
0x6f: {  	v4 =	vperm.xlane v3, v0;
	_ =	sdelay $0x1  }
0x70: {  	v3 =	vperm.xlane v3, v2;
	v4 =	vadd.s32 v1, v4;
	_ =	sdelay $0x1  }
0x71: {  	v3 =	vadd.s32 v1, v3;
	_ =	sdelay $0x1  }
0x72: {  	s0 =	simm.s32 $0x8200  }
0x73: {  	[tilespmem:s0], [sflag:$0x2] =	stream.indirect_vreg.gather [hbm4b:s1+s3], $0x80, v4, vm0, $0xb8;
	[tilespmem:$0x10200] =	vst v63  }
0x74: {  	_ = 	snop  }
0x75: {  	[tilespmem:s22], [sflag:$0x2] =	stream.indirect_vreg.gather [hbm4b:s1+s3], $0x80, v3, vm0, $0xb8;
	[tilespmem:$0x10200] =	vst v63  }
0x76: {  	v3 =	vld [tilespmem:$0x90];
	_ =	sdelay $0x4  }
0x77: {  	v41 =	vshll.u32 v3, $0x1  }
0x78: {  	v3 =	vand.u32 $0x7, v3;
	v4 =	vand.u32 $0xFFFFFFF0, v41  }
0x79: {  	v3 =	vor.u32 v3, v4  }
0x7a: {  	v4 =	vperm.xlane v3, v0;
	_ =	sdelay $0x1  }
0x7b: {  	v3 =	vperm.xlane v3, v2;
	v4 =	vadd.s32 v1, v4;
	_ =	sdelay $0x1  }
0x7c: {  	v3 =	vadd.s32 v1, v3;
	_ =	sdelay $0x1  }
0x7d: {  	s6 =	simm.s32 $0x9200  }
0x7e: {  	[tilespmem:s6], [sflag:$0x2] =	stream.indirect_vreg.gather [hbm4b:s1+s3], $0x80, v4, vm0, $0xb8;
	[tilespmem:$0x10200] =	vst v63  }
0x7f: {  	_ = 	snop  }
0x80: {  	[tilespmem:s7], [sflag:$0x2] =	stream.indirect_vreg.gather [hbm4b:s1+s3], $0x80, v3, vm0, $0xb8;
	[tilespmem:$0x10200] =	vst v63  }
0x81: {  	v3 =	vld [tilespmem:$0xA0];
	_ =	sdelay $0x4  }
0x82: {  	v42 =	vshll.u32 v3, $0x1  }
0x83: {  	v3 =	vand.u32 $0x7, v3;
	v4 =	vand.u32 $0xFFFFFFF0, v42  }
0x84: {  	v3 =	vor.u32 v3, v4  }
0x85: {  	v4 =	vperm.xlane v3, v0;
	_ =	sdelay $0x1  }
0x86: {  	v3 =	vperm.xlane v3, v2;
	v4 =	vadd.s32 v1, v4;
	_ =	sdelay $0x1  }
0x87: {  	v3 =	vadd.s32 v1, v3;
	_ =	sdelay $0x2  }
0x88: {  	[tilespmem:s8], [sflag:$0x2] =	stream.indirect_vreg.gather [hbm4b:s1+s3], $0x80, v4, vm0, $0xb8;
	[tilespmem:$0x10200] =	vst v63  }
0x89: {  	_ = 	snop  }
0x8a: {  	[tilespmem:s9], [sflag:$0x2] =	stream.indirect_vreg.gather [hbm4b:s1+s3], $0x80, v3, vm0, $0xb8;
	[tilespmem:$0x10200] =	vst v63  }
0x8b: {  	v3 =	vld [tilespmem:$0xB0];
	_ =	sdelay $0x4  }
0x8c: {  	v43 =	vshll.u32 v3, $0x1  }
0x8d: {  	v3 =	vand.u32 $0x7, v3;
	v4 =	vand.u32 $0xFFFFFFF0, v43  }
0x8e: {  	v3 =	vor.u32 v3, v4  }
0x8f: {  	v4 =	vperm.xlane v3, v0;
	_ =	sdelay $0x1  }
0x90: {  	v3 =	vperm.xlane v3, v2;
	v4 =	vadd.s32 v1, v4;
	_ =	sdelay $0x1  }
0x91: {  	v3 =	vadd.s32 v1, v3;
	_ =	sdelay $0x2  }
0x92: {  	[tilespmem:s10], [sflag:$0x2] =	stream.indirect_vreg.gather [hbm4b:s1+s3], $0x80, v4, vm0, $0xb8;
	[tilespmem:$0x10200] =	vst v63  }
0x93: {  	_ = 	snop  }
0x94: {  	[tilespmem:s11], [sflag:$0x2] =	stream.indirect_vreg.gather [hbm4b:s1+s3], $0x80, v3, vm0, $0xb8;
	[tilespmem:$0x10200] =	vst v63  }
0x95: {  	v3 =	vld [tilespmem:$0xC0];
	_ =	sdelay $0x4  }
0x96: {  	v44 =	vshll.u32 v3, $0x1  }
0x97: {  	v3 =	vand.u32 $0x7, v3;
	v4 =	vand.u32 $0xFFFFFFF0, v44  }
0x98: {  	v3 =	vor.u32 v3, v4  }
0x99: {  	v4 =	vperm.xlane v3, v0;
	_ =	sdelay $0x1  }
0x9a: {  	v3 =	vperm.xlane v3, v2;
	v4 =	vadd.s32 v1, v4;
	_ =	sdelay $0x1  }
0x9b: {  	v3 =	vadd.s32 v1, v3;
	_ =	sdelay $0x1  }
0x9c: {  	s6 =	simm.s32 $0xC200  }
0x9d: {  	[tilespmem:s6], [sflag:$0x2] =	stream.indirect_vreg.gather [hbm4b:s1+s3], $0x80, v4, vm0, $0xb8;
	[tilespmem:$0x10200] =	vst v63  }
0x9e: {  	s12 =	simm.s32 $0xCA00  }
0x9f: {  	[tilespmem:s12], [sflag:$0x2] =	stream.indirect_vreg.gather [hbm4b:s1+s3], $0x80, v3, vm0, $0xb8;
	[tilespmem:$0x10200] =	vst v63  }
0xa0: {  	v3 =	vld [tilespmem:$0xD0];
	_ =	sdelay $0x4  }
0xa1: {  	v45 =	vshll.u32 v3, $0x1  }
0xa2: {  	v3 =	vand.u32 $0x7, v3;
	v4 =	vand.u32 $0xFFFFFFF0, v45  }
0xa3: {  	v3 =	vor.u32 v3, v4  }
0xa4: {  	v4 =	vperm.xlane v3, v0;
	_ =	sdelay $0x1  }
0xa5: {  	v3 =	vperm.xlane v3, v2;
	v4 =	vadd.s32 v1, v4;
	_ =	sdelay $0x1  }
0xa6: {  	v3 =	vadd.s32 v1, v3;
	_ =	sdelay $0x1  }
0xa7: {  	s14 =	simm.s32 $0xD200  }
0xa8: {  	[tilespmem:s14], [sflag:$0x2] =	stream.indirect_vreg.gather [hbm4b:s1+s3], $0x80, v4, vm0, $0xb8;
	[tilespmem:$0x10200] =	vst v63  }
0xa9: {  	s14 =	simm.s32 $0xDA00  }
0xaa: {  	[tilespmem:s14], [sflag:$0x2] =	stream.indirect_vreg.gather [hbm4b:s1+s3], $0x80, v3, vm0, $0xb8;
	[tilespmem:$0x10200] =	vst v63  }
0xab: {  	v3 =	vld [tilespmem:$0xE0];
	_ =	sdelay $0x4  }
0xac: {  	v46 =	vshll.u32 v3, $0x1  }
0xad: {  	v3 =	vand.u32 $0x7, v3;
	v4 =	vand.u32 $0xFFFFFFF0, v46  }
0xae: {  	v3 =	vor.u32 v3, v4  }
0xaf: {  	v4 =	vperm.xlane v3, v0;
	_ =	sdelay $0x1  }
0xb0: {  	v3 =	vperm.xlane v3, v2;
	v4 =	vadd.s32 v1, v4;
	_ =	sdelay $0x1  }
0xb1: {  	v3 =	vadd.s32 v1, v3;
	_ =	sdelay $0x1  }
0xb2: {  	s14 =	simm.s32 $0xE200  }
0xb3: {  	[tilespmem:s14], [sflag:$0x2] =	stream.indirect_vreg.gather [hbm4b:s1+s3], $0x80, v4, vm0, $0xb8;
	[tilespmem:$0x10200] =	vst v63  }
0xb4: {  	s14 =	simm.s32 $0xEA00  }
0xb5: {  	[tilespmem:s14], [sflag:$0x2] =	stream.indirect_vreg.gather [hbm4b:s1+s3], $0x80, v3, vm0, $0xb8;
	[tilespmem:$0x10200] =	vst v63  }
0xb6: {  	v3 =	vld [tilespmem:$0xF0];
	_ =	sdelay $0x4  }
0xb7: {  	v47 =	vshll.u32 v3, $0x1  }
0xb8: {  	v3 =	vand.u32 $0x7, v3;
	v4 =	vand.u32 $0xFFFFFFF0, v47  }
0xb9: {  	v3 =	vor.u32 v3, v4  }
0xba: {  	v4 =	vperm.xlane v3, v0;
	_ =	sdelay $0x1  }
0xbb: {  	v3 =	vperm.xlane v3, v2;
	v4 =	vadd.s32 v1, v4;
	_ =	sdelay $0x1  }
0xbc: {  	v3 =	vadd.s32 v1, v3;
	_ =	sdelay $0x1  }
0xbd: {  	s14 =	simm.s32 $0xF200  }
0xbe: {  	[tilespmem:s14], [sflag:$0x2] =	stream.indirect_vreg.gather [hbm4b:s1+s3], $0x80, v4, vm0, $0xb8;
	[tilespmem:$0x10200] =	vst v63  }
0xbf: {  	s14 =	simm.s32 $0xFA00  }
0xc0: {  	[tilespmem:s14], [sflag:$0x2] =	stream.indirect_vreg.gather [hbm4b:s1+s3], $0x80, v3, vm0, $0xb8;
	[tilespmem:$0x10200] =	vst v63  }
0xc1: {  	_ =	swait.ge [sflag:s2], $0x8000  }
0xc2: {  	[sflag:s2] =	ssyncset.done $0x0  }
0xc3: {  	s12 =	simm.s32 $0x200;
	s14 =	rddreg [dreg:$0x5];
	[sflag:s2] =	ssyncadd.s32 $0xFFFF8000  }
0xc4: {  	[hbm4b:s14+s3] =	stream.linear.scatter [tilespmem:s12], [sflag:$0x3], $0x8000, $0x38;
	[tilespmem:$0x10200] =	vst v63  }
0xc5: {  	_ =	swait.ge [sflag:s5], $0x8000  }
0xc6: {  	[sflag:s5] =	ssyncset.done $0x0  }
0xc7: {  	[sflag:s5] =	ssyncadd.s32 $0xFFFF8000  }
0xc8: {  	v3 =	vld [tilespmem:$0x100];
	_ =	sdelay $0x4  }
0xc9: {  	v48 =	vshll.u32 v3, $0x1  }
0xca: {  	v3 =	vand.u32 $0x7, v3;
	v4 =	vand.u32 $0xFFFFFFF0, v48  }
0xcb: {  	v3 =	vor.u32 v3, v4  }
0xcc: {  	v4 =	vperm.xlane v3, v0;
	_ =	sdelay $0x1  }
0xcd: {  	v3 =	vperm.xlane v3, v2;
	v4 =	vadd.s32 v1, v4;
	_ =	sdelay $0x1  }
0xce: {  	v3 =	vadd.s32 v1, v3;
	_ =	sdelay $0x2  }
0xcf: {  	[tilespmem:s12], [sflag:$0x1] =	stream.indirect_vreg.gather [hbm4b:s1+s3], $0x80, v4, vm0, $0xb8;
	[tilespmem:$0x10200] =	vst v63  }
0xd0: {  	_ = 	snop  }
0xd1: {  	[tilespmem:s15], [sflag:$0x1] =	stream.indirect_vreg.gather [hbm4b:s1+s3], $0x80, v3, vm0, $0xb8;
	[tilespmem:$0x10200] =	vst v63  }
0xd2: {  	v3 =	vld [tilespmem:$0x110];
	_ =	sdelay $0x4  }
0xd3: {  	v49 =	vshll.u32 v3, $0x1  }
0xd4: {  	v3 =	vand.u32 $0x7, v3;
	v4 =	vand.u32 $0xFFFFFFF0, v49  }
0xd5: {  	v3 =	vor.u32 v3, v4  }
0xd6: {  	v4 =	vperm.xlane v3, v0;
	_ =	sdelay $0x1  }
0xd7: {  	v3 =	vperm.xlane v3, v2;
	v4 =	vadd.s32 v1, v4;
	_ =	sdelay $0x1  }
0xd8: {  	v3 =	vadd.s32 v1, v3;
	_ =	sdelay $0x2  }
0xd9: {  	[tilespmem:s16], [sflag:$0x1] =	stream.indirect_vreg.gather [hbm4b:s1+s3], $0x80, v4, vm0, $0xb8;
	[tilespmem:$0x10200] =	vst v63  }
0xda: {  	_ = 	snop  }
0xdb: {  	[tilespmem:s17], [sflag:$0x1] =	stream.indirect_vreg.gather [hbm4b:s1+s3], $0x80, v3, vm0, $0xb8;
	[tilespmem:$0x10200] =	vst v63  }
0xdc: {  	v3 =	vld [tilespmem:$0x120];
	_ =	sdelay $0x4  }
0xdd: {  	v50 =	vshll.u32 v3, $0x1  }
0xde: {  	v3 =	vand.u32 $0x7, v3;
	v4 =	vand.u32 $0xFFFFFFF0, v50  }
0xdf: {  	v3 =	vor.u32 v3, v4  }
0xe0: {  	v4 =	vperm.xlane v3, v0;
	_ =	sdelay $0x1  }
0xe1: {  	v3 =	vperm.xlane v3, v2;
	v4 =	vadd.s32 v1, v4;
	_ =	sdelay $0x1  }
0xe2: {  	v3 =	vadd.s32 v1, v3;
	_ =	sdelay $0x2  }
0xe3: {  	[tilespmem:s18], [sflag:$0x1] =	stream.indirect_vreg.gather [hbm4b:s1+s3], $0x80, v4, vm0, $0xb8;
	[tilespmem:$0x10200] =	vst v63  }
0xe4: {  	_ = 	snop  }
0xe5: {  	[tilespmem:s19], [sflag:$0x1] =	stream.indirect_vreg.gather [hbm4b:s1+s3], $0x80, v3, vm0, $0xb8;
	[tilespmem:$0x10200] =	vst v63  }
0xe6: {  	v3 =	vld [tilespmem:$0x130];
	_ =	sdelay $0x4  }
0xe7: {  	v51 =	vshll.u32 v3, $0x1  }
0xe8: {  	v3 =	vand.u32 $0x7, v3;
	v4 =	vand.u32 $0xFFFFFFF0, v51  }
0xe9: {  	v3 =	vor.u32 v3, v4  }
0xea: {  	v4 =	vperm.xlane v3, v0;
	_ =	sdelay $0x1  }
0xeb: {  	v3 =	vperm.xlane v3, v2;
	v4 =	vadd.s32 v1, v4;
	_ =	sdelay $0x1  }
0xec: {  	v3 =	vadd.s32 v1, v3;
	_ =	sdelay $0x2  }
0xed: {  	[tilespmem:s20], [sflag:$0x1] =	stream.indirect_vreg.gather [hbm4b:s1+s3], $0x80, v4, vm0, $0xb8;
	[tilespmem:$0x10200] =	vst v63  }
0xee: {  	_ = 	snop  }
0xef: {  	[tilespmem:s21], [sflag:$0x1] =	stream.indirect_vreg.gather [hbm4b:s1+s3], $0x80, v3, vm0, $0xb8;
	[tilespmem:$0x10200] =	vst v63  }
0xf0: {  	v3 =	vld [tilespmem:$0x140];
	_ =	sdelay $0x4  }
0xf1: {  	v52 =	vshll.u32 v3, $0x1  }
0xf2: {  	v3 =	vand.u32 $0x7, v3;
	v4 =	vand.u32 $0xFFFFFFF0, v52  }
0xf3: {  	v3 =	vor.u32 v3, v4  }
0xf4: {  	v4 =	vperm.xlane v3, v0;
	_ =	sdelay $0x1  }
0xf5: {  	v3 =	vperm.xlane v3, v2;
	v4 =	vadd.s32 v1, v4;
	_ =	sdelay $0x1  }
0xf6: {  	v3 =	vadd.s32 v1, v3;
	_ =	sdelay $0x2  }
0xf7: {  	[tilespmem:s23], [sflag:$0x1] =	stream.indirect_vreg.gather [hbm4b:s1+s3], $0x80, v4, vm0, $0xb8;
	[tilespmem:$0x10200] =	vst v63  }
0xf8: {  	_ = 	snop  }
0xf9: {  	[tilespmem:s24], [sflag:$0x1] =	stream.indirect_vreg.gather [hbm4b:s1+s3], $0x80, v3, vm0, $0xb8;
	[tilespmem:$0x10200] =	vst v63  }
0xfa: {  	v3 =	vld [tilespmem:$0x150];
	_ =	sdelay $0x4  }
0xfb: {  	v53 =	vshll.u32 v3, $0x1  }
0xfc: {  	v3 =	vand.u32 $0x7, v3;
	v4 =	vand.u32 $0xFFFFFFF0, v53  }
0xfd: {  	v3 =	vor.u32 v3, v4  }
0xfe: {  	v4 =	vperm.xlane v3, v0;
	_ =	sdelay $0x1  }
0xff: {  	v3 =	vperm.xlane v3, v2;
	v4 =	vadd.s32 v1, v4;
	_ =	sdelay $0x1  }
0x100: {  	v3 =	vadd.s32 v1, v3;
	_ =	sdelay $0x2  }
0x101: {  	[tilespmem:s25], [sflag:$0x1] =	stream.indirect_vreg.gather [hbm4b:s1+s3], $0x80, v4, vm0, $0xb8;
	[tilespmem:$0x10200] =	vst v63  }
0x102: {  	_ = 	snop  }
0x103: {  	[tilespmem:s26], [sflag:$0x1] =	stream.indirect_vreg.gather [hbm4b:s1+s3], $0x80, v3, vm0, $0xb8;
	[tilespmem:$0x10200] =	vst v63  }
0x104: {  	v3 =	vld [tilespmem:$0x160];
	_ =	sdelay $0x4  }
0x105: {  	v54 =	vshll.u32 v3, $0x1  }
0x106: {  	v3 =	vand.u32 $0x7, v3;
	v4 =	vand.u32 $0xFFFFFFF0, v54  }
0x107: {  	v3 =	vor.u32 v3, v4  }
0x108: {  	v4 =	vperm.xlane v3, v0;
	_ =	sdelay $0x1  }
0x109: {  	v3 =	vperm.xlane v3, v2;
	v4 =	vadd.s32 v1, v4;
	_ =	sdelay $0x1  }
0x10a: {  	v3 =	vadd.s32 v1, v3;
	_ =	sdelay $0x2  }
0x10b: {  	[tilespmem:s28], [sflag:$0x1] =	stream.indirect_vreg.gather [hbm4b:s1+s3], $0x80, v4, vm0, $0xb8;
	[tilespmem:$0x10200] =	vst v63  }
0x10c: {  	_ = 	snop  }
0x10d: {  	[tilespmem:s29], [sflag:$0x1] =	stream.indirect_vreg.gather [hbm4b:s1+s3], $0x80, v3, vm0, $0xb8;
	[tilespmem:$0x10200] =	vst v63  }
0x10e: {  	v3 =	vld [tilespmem:$0x170];
	_ =	sdelay $0x4  }
0x10f: {  	v55 =	vshll.u32 v3, $0x1  }
0x110: {  	v3 =	vand.u32 $0x7, v3;
	v4 =	vand.u32 $0xFFFFFFF0, v55  }
0x111: {  	v3 =	vor.u32 v3, v4  }
0x112: {  	v4 =	vperm.xlane v3, v0;
	_ =	sdelay $0x1  }
0x113: {  	v3 =	vperm.xlane v3, v2;
	v4 =	vadd.s32 v1, v4;
	_ =	sdelay $0x1  }
0x114: {  	v3 =	vadd.s32 v1, v3;
	_ =	sdelay $0x2  }
0x115: {  	[tilespmem:s30], [sflag:$0x1] =	stream.indirect_vreg.gather [hbm4b:s1+s3], $0x80, v4, vm0, $0xb8;
	[tilespmem:$0x10200] =	vst v63  }
0x116: {  	_ = 	snop  }
0x117: {  	[tilespmem:s31], [sflag:$0x1] =	stream.indirect_vreg.gather [hbm4b:s1+s3], $0x80, v3, vm0, $0xb8;
	[tilespmem:$0x10200] =	vst v63  }
0x118: {  	_ =	swait.ge [sflag:s13], $0x8000  }
0x119: {  	[sflag:s13] =	ssyncset.done $0x0  }
0x11a: {  	s12 =	rddreg [dreg:$0x6];
	[sflag:s13] =	ssyncadd.s32 $0xFFFF8000  }
0x11b: {  	[hbm4b:s12+s3] =	stream.linear.scatter [tilespmem:s0], [sflag:$0x3], $0x8000, $0x38;
	[tilespmem:$0x10200] =	vst v63  }
0x11c: {  	_ =	swait.ge [sflag:s5], $0x8000  }
0x11d: {  	[sflag:s5] =	ssyncset.done $0x0  }
0x11e: {  	[sflag:s5] =	ssyncadd.s32 $0xFFFF8000  }
0x11f: {  	v3 =	vld [tilespmem:$0x180];
	_ =	sdelay $0x4  }
0x120: {  	v56 =	vshll.u32 v3, $0x1  }
0x121: {  	v3 =	vand.u32 $0x7, v3;
	v4 =	vand.u32 $0xFFFFFFF0, v56  }
0x122: {  	v3 =	vor.u32 v3, v4  }
0x123: {  	v4 =	vperm.xlane v3, v0;
	_ =	sdelay $0x1  }
0x124: {  	v3 =	vperm.xlane v3, v2;
	v4 =	vadd.s32 v1, v4;
	_ =	sdelay $0x1  }
0x125: {  	v3 =	vadd.s32 v1, v3;
	_ =	sdelay $0x2  }
0x126: {  	[tilespmem:s0], [sflag:$0x2] =	stream.indirect_vreg.gather [hbm4b:s1+s3], $0x80, v4, vm0, $0xb8;
	[tilespmem:$0x10200] =	vst v63  }
0x127: {  	_ = 	snop  }
0x128: {  	[tilespmem:s22], [sflag:$0x2] =	stream.indirect_vreg.gather [hbm4b:s1+s3], $0x80, v3, vm0, $0xb8;
	[tilespmem:$0x10200] =	vst v63  }
0x129: {  	v3 =	vld [tilespmem:$0x190];
	_ =	sdelay $0x4  }
0x12a: {  	v57 =	vshll.u32 v3, $0x1  }
0x12b: {  	v3 =	vand.u32 $0x7, v3;
	v4 =	vand.u32 $0xFFFFFFF0, v57  }
0x12c: {  	v3 =	vor.u32 v3, v4  }
0x12d: {  	v4 =	vperm.xlane v3, v0;
	_ =	sdelay $0x1  }
0x12e: {  	v3 =	vperm.xlane v3, v2;
	v4 =	vadd.s32 v1, v4;
	_ =	sdelay $0x1  }
0x12f: {  	v3 =	vadd.s32 v1, v3;
	_ =	sdelay $0x1  }
0x130: {  	s14 =	simm.s32 $0x9200  }
0x131: {  	[tilespmem:s14], [sflag:$0x2] =	stream.indirect_vreg.gather [hbm4b:s1+s3], $0x80, v4, vm0, $0xb8;
	[tilespmem:$0x10200] =	vst v63  }
0x132: {  	_ = 	snop  }
0x133: {  	[tilespmem:s7], [sflag:$0x2] =	stream.indirect_vreg.gather [hbm4b:s1+s3], $0x80, v3, vm0, $0xb8;
	[tilespmem:$0x10200] =	vst v63  }
0x134: {  	v3 =	vld [tilespmem:$0x1A0];
	_ =	sdelay $0x4  }
0x135: {  	v58 =	vshll.u32 v3, $0x1  }
0x136: {  	v3 =	vand.u32 $0x7, v3;
	v4 =	vand.u32 $0xFFFFFFF0, v58  }
0x137: {  	v3 =	vor.u32 v3, v4  }
0x138: {  	v4 =	vperm.xlane v3, v0;
	_ =	sdelay $0x1  }
0x139: {  	v3 =	vperm.xlane v3, v2;
	v4 =	vadd.s32 v1, v4;
	_ =	sdelay $0x1  }
0x13a: {  	v3 =	vadd.s32 v1, v3;
	_ =	sdelay $0x2  }
0x13b: {  	[tilespmem:s8], [sflag:$0x2] =	stream.indirect_vreg.gather [hbm4b:s1+s3], $0x80, v4, vm0, $0xb8;
	[tilespmem:$0x10200] =	vst v63  }
0x13c: {  	_ = 	snop  }
0x13d: {  	[tilespmem:s9], [sflag:$0x2] =	stream.indirect_vreg.gather [hbm4b:s1+s3], $0x80, v3, vm0, $0xb8;
	[tilespmem:$0x10200] =	vst v63  }
0x13e: {  	v3 =	vld [tilespmem:$0x1B0];
	_ =	sdelay $0x4  }
0x13f: {  	v59 =	vshll.u32 v3, $0x1  }
0x140: {  	v3 =	vand.u32 $0x7, v3;
	v4 =	vand.u32 $0xFFFFFFF0, v59  }
0x141: {  	v3 =	vor.u32 v3, v4  }
0x142: {  	v4 =	vperm.xlane v3, v0;
	_ =	sdelay $0x1  }
0x143: {  	v3 =	vperm.xlane v3, v2;
	v4 =	vadd.s32 v1, v4;
	_ =	sdelay $0x1  }
0x144: {  	v3 =	vadd.s32 v1, v3;
	_ =	sdelay $0x2  }
0x145: {  	[tilespmem:s10], [sflag:$0x2] =	stream.indirect_vreg.gather [hbm4b:s1+s3], $0x80, v4, vm0, $0xb8;
	[tilespmem:$0x10200] =	vst v63  }
0x146: {  	_ = 	snop  }
0x147: {  	[tilespmem:s11], [sflag:$0x2] =	stream.indirect_vreg.gather [hbm4b:s1+s3], $0x80, v3, vm0, $0xb8;
	[tilespmem:$0x10200] =	vst v63  }
0x148: {  	v3 =	vld [tilespmem:$0x1C0];
	_ =	sdelay $0x4  }
0x149: {  	v60 =	vshll.u32 v3, $0x1  }
0x14a: {  	v3 =	vand.u32 $0x7, v3;
	v4 =	vand.u32 $0xFFFFFFF0, v60  }
0x14b: {  	v3 =	vor.u32 v3, v4  }
0x14c: {  	v4 =	vperm.xlane v3, v0;
	_ =	sdelay $0x1  }
0x14d: {  	v3 =	vperm.xlane v3, v2;
	v4 =	vadd.s32 v1, v4;
	_ =	sdelay $0x1  }
0x14e: {  	v3 =	vadd.s32 v1, v3;
	_ =	sdelay $0x2  }
0x14f: {  	[tilespmem:s6], [sflag:$0x2] =	stream.indirect_vreg.gather [hbm4b:s1+s3], $0x80, v4, vm0, $0xb8;
	[tilespmem:$0x10200] =	vst v63  }
0x150: {  	s14 =	simm.s32 $0xCA00  }
0x151: {  	[tilespmem:s14], [sflag:$0x2] =	stream.indirect_vreg.gather [hbm4b:s1+s3], $0x80, v3, vm0, $0xb8;
	[tilespmem:$0x10200] =	vst v63  }
0x152: {  	v3 =	vld [tilespmem:$0x1D0];
	_ =	sdelay $0x4  }
0x153: {  	v61 =	vshll.u32 v3, $0x1  }
0x154: {  	v3 =	vand.u32 $0x7, v3;
	v4 =	vand.u32 $0xFFFFFFF0, v61  }
0x155: {  	v3 =	vor.u32 v3, v4  }
0x156: {  	v4 =	vperm.xlane v3, v0;
	_ =	sdelay $0x1  }
0x157: {  	v3 =	vperm.xlane v3, v2;
	v4 =	vadd.s32 v1, v4;
	_ =	sdelay $0x1  }
0x158: {  	v3 =	vadd.s32 v1, v3;
	_ =	sdelay $0x1  }
0x159: {  	s12 =	simm.s32 $0xD200  }
0x15a: {  	[tilespmem:s12], [sflag:$0x2] =	stream.indirect_vreg.gather [hbm4b:s1+s3], $0x80, v4, vm0, $0xb8;
	[tilespmem:$0x10200] =	vst v63  }
0x15b: {  	s14 =	simm.s32 $0xDA00  }
0x15c: {  	[tilespmem:s14], [sflag:$0x2] =	stream.indirect_vreg.gather [hbm4b:s1+s3], $0x80, v3, vm0, $0xb8;
	[tilespmem:$0x10200] =	vst v63  }
0x15d: {  	v3 =	vld [tilespmem:$0x1E0];
	_ =	sdelay $0x4  }
0x15e: {  	v62 =	vshll.u32 v3, $0x1  }
0x15f: {  	v3 =	vand.u32 $0x7, v3;
	v4 =	vand.u32 $0xFFFFFFF0, v62  }
0x160: {  	v3 =	vor.u32 v3, v4  }
0x161: {  	v4 =	vperm.xlane v3, v0;
	_ =	sdelay $0x1  }
0x162: {  	v3 =	vperm.xlane v3, v2;
	v4 =	vadd.s32 v1, v4;
	_ =	sdelay $0x1  }
0x163: {  	v3 =	vadd.s32 v1, v3;
	_ =	sdelay $0x1  }
0x164: {  	s12 =	simm.s32 $0xE200  }
0x165: {  	[tilespmem:s12], [sflag:$0x2] =	stream.indirect_vreg.gather [hbm4b:s1+s3], $0x80, v4, vm0, $0xb8;
	[tilespmem:$0x10200] =	vst v63  }
0x166: {  	s14 =	simm.s32 $0xEA00  }
0x167: {  	[tilespmem:s14], [sflag:$0x2] =	stream.indirect_vreg.gather [hbm4b:s1+s3], $0x80, v3, vm0, $0xb8;
	[tilespmem:$0x10200] =	vst v63  }
0x168: {  	v3 =	vld [tilespmem:$0x1F0];
	_ =	sdelay $0x4  }
0x169: {  	v63 =	vshll.u32 v3, $0x1  }
0x16a: {  	v3 =	vand.u32 $0x7, v3;
	v4 =	vand.u32 $0xFFFFFFF0, v63  }
0x16b: {  	v3 =	vor.u32 v3, v4  }
0x16c: {  	v4 =	vperm.xlane v3, v0;
	_ =	sdelay $0x1  }
0x16d: {  	v3 =	vperm.xlane v3, v2;
	v4 =	vadd.s32 v1, v4;
	_ =	sdelay $0x1  }
0x16e: {  	v3 =	vadd.s32 v1, v3;
	_ =	sdelay $0x1  }
0x16f: {  	s12 =	simm.s32 $0xF200  }
0x170: {  	[tilespmem:s12], [sflag:$0x2] =	stream.indirect_vreg.gather [hbm4b:s1+s3], $0x80, v4, vm0, $0xb8;
	[tilespmem:$0x10200] =	vst v63  }
0x171: {  	s14 =	simm.s32 $0xFA00  }
0x172: {  	[tilespmem:s14], [sflag:$0x2] =	stream.indirect_vreg.gather [hbm4b:s1+s3], $0x80, v3, vm0, $0xb8;
	[tilespmem:$0x10200] =	vst v63  }
0x173: {  	_ =	swait.ge [sflag:s2], $0x8000  }
0x174: {  	[sflag:s2] =	ssyncset.done $0x0  }
0x175: {  	s12 =	simm.s32 $0x200;
	s6 =	rddreg [dreg:$0x7];
	[sflag:s2] =	ssyncadd.s32 $0xFFFF8000  }
0x176: {  	[hbm4b:s6+s3] =	stream.linear.scatter [tilespmem:s12], [sflag:$0x3], $0x8000, $0x38;
	[tilespmem:$0x10200] =	vst v63  }
0x177: {  	_ =	swait.ge [sflag:s5], $0x8000  }
0x178: {  	[sflag:s5] =	ssyncset.done $0x0  }
0x179: {  	[sflag:s5] =	ssyncadd.s32 $0xFFFF8000  }
0x17a: {  	_ =	swait.ge [sflag:s13], $0x8000  }
0x17b: {  	p0 =	sne.s32 s4, $0x1;
	[sflag:s13] =	ssyncset.done $0x0  }
.Ltmp0:
0x17c: {  	s12 =	rddreg [dreg:$0x8];
	[sflag:s13] =	ssyncadd.s32 $0xFFFF8000;
	(pc) =	sbr.rel @p0 .LBB2_1-.Ltmp0, $4  }
0x17d: {  	[hbm4b:s12+s3] =	stream.linear.scatter [tilespmem:s0], [sflag:$0x3], $0x8000, $0x38;
	[tilespmem:$0x10200] =	vst v63  }
0x17e: {  	_ =	swait.ge [sflag:s5], $0x8000  }
0x17f: {  	[sflag:s5] =	ssyncset.done $0x0  }
0x180: {  	s4 =	sadd.s32 $0xFFFFFFFF, s4;
	[sflag:s5] =	ssyncadd.s32 $0xFFFF8000  }
0x181: {  	_ =	sfence.sel $0x180000  }
0x182: {  	[bflag:$0x0] =	sbarrier.arrive $0xFFFF  }
0x183: {  	_ =	strace $0x9000004A  }
0x184: {  	s0 =	stileid.u32;
	[bflag:$0x2] =	sbarrier.arrive $0xFFFF  }
0x185: {  	p0 =	sne.s32 s0, $0x0;
	s0 =	rddreg [dreg:$0x3]  }
0x186: {  	s0 =	sadd.s32 @!p0 $0x100000, s0  }
0x187: {  	[sflag:s0] =	ssyncadd.tile.s32 @!p0 $0x1;
	_ =	shalt  }
.Lfunc_end2:
_tile_overlayer_lowered:
.L_overlay_start_2:
0x188: {  	(tag) =	ssettag $0x2  }
0x189: {  	s0 =	rddreg [dreg:$0x0];
	s2 =	stileid.u32  }
0x18a: {  	s1 =	rddreg [dreg:$0x1];
	p0 =	sne.s32 s2, $0x0  }
0x18b: {  	s3 =	rddreg [dreg:$0x2];
	[bflag:$0x3] =	sbarrier.arrive $0xFFFF;
	s2 =	simm.s32 @!p0 $0x1C03  }
0x18c: {  	[timem:s3], [sflag:s2] =	dma.local @!p0 [hbm:s0], s1  }
0x18d: {  	s0 =	simm.s32 @!p0 $0x3  }
0x18e: {  	_ =	swait.ge @!p0 [sflag:s0], s1  }
0x18f: {  	s1 =	ssub.s32 @!p0 $0x0, s1;
	[sflag:s0] =	ssyncset.done @!p0 $0x0  }
0x190: {  	[sflag:s0] =	ssyncadd.s32 @!p0 s1  }
0x191: {  	[bflag:$0x3] =	sbarrier.arrive $0xFFFF  }
0x192: {  	_ =	shalt  }

// kernel: scatter_offload_async_start
scs
__scs_entry_jumppad:
0x0: {  	(pc) =	sbr.rel $0x88, $3  }
0x1: {  	(tag) =	ssettag $0x0;
	lr =	simm.s32 $0x1  }
0x2: {  	[smem:$0x3F9F] =	sst lr;
	_ =	strace $0xD0000000  }
0x3: {  	_ = 	snop  }
0x4: {  	_ = 	snop  }
0x5: {  	_ = 	snop  }
0x6: {  	_ = 	snop  }
0x7: {  	_ = 	snop  }
__scs_overlays_trampoline_lowered:
0x8: {  	[smem:$0x3FAE] =	sst s0  }
0x9: {  	[smem:$0x3FAF] =	sst s1  }
0xa: {  	[smem:$0x3FB0] =	sst s2  }
0xb: {  	[smem:$0x3FB1] =	sst s3  }
0xc: {  	[smem:$0x3FB2] =	sst s4  }
0xd: {  	[smem:$0x3FB3] =	sst s5  }
0xe: {  	[smem:$0x3FB4] =	sst s6  }
0xf: {  	[smem:$0x3FB5] =	sst s7  }
0x10: {  	[smem:$0x3FB6] =	sst s8  }
0x11: {  	[smem:$0x3FB7] =	sst s9;
	s0 =	simm.s32 @!p0 $0x0  }
0x12: {  	s1 =	sld [smem:$0x3F9D];
	s0 =	simm.s32 @p0 $0x1  }
0x13: {  	[smem:$0x3FB8] =	sst s0;
	s0 =	simm.s32 @!p1 $0x0  }
0x14: {  	s2 =	sld [smem:$0x3F9C];
	s0 =	simm.s32 @p1 $0x1  }
0x15: {  	[smem:$0x3FB9] =	sst s0;
	s0 =	simm.s32 @!p2 $0x0  }
0x16: {  	s3 =	sld [smem:$0x3FDB];
	s0 =	simm.s32 @p2 $0x1  }
0x17: {  	s4 =	simm.s32 $0x1BF5;
	[smem:$0x3FBB] =	sst s0  }
0x18: {  	s0 =	sld [smem:$0x3F9E];
	_ =	swait.ge [sflag:s4], $0x0  }
0x19: {  	s7 =	sld [smem:$0x3F9F]  }
0x1a: {  	s8 =	sadd.s32 $0xFFFFE003, lr  }
0x1b: {  	s9 =	sadd.s32 $0xFFFFFEF7, lr;
	s5 =	simm.s32 $0xFFFFFFFF;
	p2 =	slt.u32 s8, $0xFFFFF086  }
0x1c: {  	p1 =	slt.u32 s9, $0xF7A;
	s5 =	simm.s32 @!p2 $0x0  }
0x1d: {  	s5 =	simm.s32 @p1 $0x1;
	p0 =	seq.s32 s7, s2  }
0x1e: {  	s7 =	smul.u32 @!p0 $0xF7A, s2;
	p2 =	seq.s32 @!p0 s5, $0x0  }
0x1f: {  	s9 =	smul.u32 $0xF7A, s1;
	s8 =	simm.s32 @!p0 $0x1BF5;
	p2 =	por !p2, p0  }
0x20: {  	[sflag:s8] =	ssyncset.s32 @!p0 $0xFFFFF086;
	s6 =	sadd.s32 @!p0 s3, s7;
	s7 =	simm.s32 @!p0 $0x108  }
0x21: {  	s3 =	sadd.s32 s3, s9;
	s6 =	sadd.s32 @!p0 $0x88, s6;
	s7 =	simm.s32 @p2 $0x1082  }
0x22: {  	[simem:s7], [sflag:s8] =	dma.local @!p0 [hbm:s6], $0xF7A  }
0x23: {  	s9 =	sor.u32 $0xD0000000, s2;
	s6 =	simm.s32 $0x108;
	_ =	swait.ge @!p0 [sflag:s8], $0x0  }
0x24: {  	s3 =	sadd.s32 $0x88, s3;
	s6 =	simm.s32 @!p1 $0x1082;
	[sflag:s4] =	ssyncset.s32 $0xFFFFF086  }
0x25: {  	[simem:s6], [sflag:s4] =	dma.local [hbm:s3], $0xF7A  }
0x26: {  	[smem:$0x3F9F] =	sst s1;
	(tag) =	ssettag s2;
	_ =	strace s9  }
0x27: {  	s1 =	sld [smem:$0x3FAF]  }
0x28: {  	s2 =	sld [smem:$0x3FB0]  }
0x29: {  	s4 =	sld [smem:$0x3FB2]  }
0x2a: {  	p0 =	seq.s32 s5, $0x0;
	s5 =	sld [smem:$0x3FB3]  }
0x2b: {  	s6 =	sld [smem:$0x3FB4]  }
0x2c: {  	s7 =	sld [smem:$0x3FB5]  }
0x2d: {  	s3 =	simm.s32 $0x108;
	s8 =	sld [smem:$0x3FB6]  }
0x2e: {  	s3 =	simm.s32 @!p0 $0x1082;
	s9 =	sld [smem:$0x3FB7]  }
0x2f: {  	lr =	sadd.s32 s0, s3;
	s0 =	sld [smem:$0x3FAE]  }
0x30: {  	s3 =	sld [smem:$0x3FB1]  }
0x31: {  	[smem:$0x3FBA] =	sst s10  }
0x32: {  	s10 =	sld [smem:$0x3FB8];
	_ =	sdelay $0x3  }
0x33: {  	p0 =	seq.s32 s10, $0x1;
	s10 =	sld [smem:$0x3FBA];
	_ =	sdelay $0x3  }
0x34: {  	[smem:$0x3FBA] =	sst s10  }
0x35: {  	s10 =	sld [smem:$0x3FB9];
	_ =	sdelay $0x3  }
0x36: {  	p1 =	seq.s32 s10, $0x1;
	s10 =	sld [smem:$0x3FBA];
	_ =	sdelay $0x3  }
0x37: {  	[smem:$0x3FBA] =	sst s10  }
0x38: {  	s10 =	sld [smem:$0x3FBB]  }
0x39: {  	_ = 	snop;
	(pc) =	sbr.ind lr, $3  }
0x3a: {  	_ = 	snop  }
0x3b: {  	_ = 	snop  }
0x3c: {  	p2 =	seq.s32 s10, $0x1;
	s10 =	sld [smem:$0x3FBA]  }
0x3d: {  	_ =	shalt  }
0x3e: {  	_ =	shalt  }
0x3f: {  	_ =	shalt  }
0x40: {  	_ =	shalt  }
0x41: {  	_ =	shalt  }
0x42: {  	_ =	shalt  }
0x43: {  	_ =	shalt  }
0x44: {  	_ =	shalt  }
0x45: {  	_ =	shalt  }
0x46: {  	_ =	shalt  }
0x47: {  	_ =	shalt  }
0x48: {  	_ =	shalt  }
0x49: {  	_ =	shalt  }
0x4a: {  	_ =	shalt  }
0x4b: {  	_ =	shalt  }
0x4c: {  	_ =	shalt  }
0x4d: {  	_ =	shalt  }
0x4e: {  	_ =	shalt  }
0x4f: {  	_ =	shalt  }
0x50: {  	_ =	shalt  }
0x51: {  	_ =	shalt  }
0x52: {  	_ =	shalt  }
0x53: {  	_ =	shalt  }
0x54: {  	_ =	shalt  }
0x55: {  	_ =	shalt  }
0x56: {  	_ =	shalt  }
0x57: {  	_ =	shalt  }
0x58: {  	_ =	shalt  }
0x59: {  	_ =	shalt  }
0x5a: {  	_ =	shalt  }
0x5b: {  	_ =	shalt  }
0x5c: {  	_ =	shalt  }
0x5d: {  	_ =	shalt  }
0x5e: {  	_ =	shalt  }
0x5f: {  	_ =	shalt  }
0x60: {  	_ =	shalt  }
0x61: {  	_ =	shalt  }
0x62: {  	_ =	shalt  }
0x63: {  	_ =	shalt  }
0x64: {  	_ =	shalt  }
0x65: {  	_ =	shalt  }
0x66: {  	_ =	shalt  }
0x67: {  	_ =	shalt  }
0x68: {  	_ =	shalt  }
0x69: {  	_ =	shalt  }
0x6a: {  	_ =	shalt  }
0x6b: {  	_ =	shalt  }
0x6c: {  	_ =	shalt  }
0x6d: {  	_ =	shalt  }
0x6e: {  	_ =	shalt  }
0x6f: {  	_ =	shalt  }
0x70: {  	_ =	shalt  }
0x71: {  	_ =	shalt  }
0x72: {  	_ =	shalt  }
0x73: {  	_ =	shalt  }
0x74: {  	_ =	shalt  }
0x75: {  	_ =	shalt  }
0x76: {  	_ =	shalt  }
0x77: {  	_ =	shalt  }
0x78: {  	_ =	shalt  }
0x79: {  	_ =	shalt  }
0x7a: {  	_ =	shalt  }
0x7b: {  	_ =	shalt  }
0x7c: {  	_ =	shalt  }
0x7d: {  	_ =	shalt  }
0x7e: {  	_ =	shalt  }
0x7f: {  	_ =	shalt  }
0x80: {  	_ =	shalt  }
0x81: {  	_ =	shalt  }
0x82: {  	_ =	shalt  }
0x83: {  	_ =	shalt  }
0x84: {  	_ =	shalt  }
0x85: {  	_ =	shalt  }
0x86: {  	_ =	shalt  }
0x87: {  	_ =	shalt  }
.Lfunc_end0:
.L_simem_size_0:
called_computation_lowered:
.L_overlay_start_0:
0x88: {  	s0 =	sld [smem:$0x3FD9]  }
0x89: {  	s1 =	sld [smem:$0x3FFE];
	_ =	sdelay $0x3  }
0x8a: {  	s0 =	sadd.s32 s1, s0  }
0x8b: {  	[smem:$0x3FC6] =	sst s0  }
0x8c: {  	_ = 	snop  }
0x8d: {  	s0 =	sld [smem:$0x3FD0];
	_ =	sdelay $0x2  }
0x8e: {  	s13 =	simm.s32 $0xB;
	s2 =	simm.s32 $0x10  }
0x8f: {  	[smem:s2], [sflag:s13] =	dma.local [hbm:s0], $0x1  }
0x90: {  	_ =	swait.eq [sflag:s13], $0x1  }
0x91: {  	[sflag:s13] =	ssyncset.done $0x0  }
0x92: {  	[sflag:s13] =	ssyncadd.s32 $0xFFFFFFFF  }
0x93: {  	s14 =	sld [smem:$0x10];
	(tm) =	ssettm $0x1  }
0x94: {  	s15 =	sld [smem:$0x3FFB];
	_ =	sdelay $0x3  }
0x95: {  	_ =	strace s15  }
0x96: {  	s1 =	sld [smem:$0x3FFC];
	_ =	sdelay $0x3  }
0x97: {  	_ =	strace s1  }
0x98: {  	s1 =	sld [smem:$0x3FFD];
	_ =	sdelay $0x3  }
0x99: {  	_ =	strace s1  }
0x9a: {  	_ =	strace $0x8FFFFFFF  }
0x9b: {  	s16 =	sld [smem:$0x3FDB];
	_ =	sdelay $0x1  }
0x9c: {  	s17 =	simm.s32 $_scs_section_size  }
0x9d: {  	s3 =	simm.s32 $_size__tile_overlayer_lowered;
	s4 =	simm.s32 $_tile_overlayer_lowered  }
0x9e: {  	s20 =	simm.s32 $0x1BFF;
	s19 =	sshll.u32 s4, $0x1;
	s1 =	sadd.s32 s17, s16  }
0x9f: {  	s5 =	simm.s32 $0x0;
	s18 =	sshll.u32 s3, $0x1;
	s3 =	sadd.s32 s19, s1  }
0xa0: {  	[timem:s5], [sflag:s20] =	dma.local [hbm:s3], s18  }
0xa1: {  	_ =	swait.ge [sflag:s20], s18  }
0xa2: {  	s2 =	ssub.s32 $0x0, s18;
	[sflag:s20] =	ssyncset.done $0x0  }
0xa3: {  	[sflag:s20] =	ssyncadd.s32 s2;
	_ =	sdelay $0x1  }
0xa4: {  	s21 =	simm.s32 $0x1B8B  }
0xa5: {  	_ =	swait.ge [sflag:s21], $0x1  }
0xa6: {  	[sflag:s21] =	ssyncset.done $0x0  }
0xa7: {  	s23 =	simm.s32 $0x1B8E;
	s22 =	sld [smem:$0x3FFE];
	[sflag:s21] =	ssyncadd.s32 $0xFFFFFFFF  }
0xa8: {  	s24 =	simm.s32 $execute0_lowered;
	[smem:$0x3FD2] =	sst s23  }
0xa9: {  	s3 =	sshll.u32 s24, $0x1;
	_ =	strace $0x80000046;
	[dreg:$0x1] =	wrdreg $0xFFFFFFFF  }
0xaa: {  	s25 =	simm.s32 $_size_execute0_lowered;
	s1 =	sadd.s32 s1, s3;
	[dreg:$0x0] =	wrdreg $0x0  }
0xab: {  	s3 =	sshll.u32 s25, $0x1;
	[dreg:$0x2] =	wrdreg s1  }
0xac: {  	[dreg:$0x3] =	wrdreg s3  }
0xad: {  	[dreg:$0x4] =	wrdreg $0xC0  }
0xae: {  	_ =	task [dreg:s5], $0x5FFFF  }
0xaf: {  	[dreg:$0x1] =	wrdreg $0xFFFFFFFF  }
0xb0: {  	[dreg:$0x0] =	wrdreg $0x60  }
0xb1: {  	[dreg:$0x2] =	wrdreg s22  }
0xb2: {  	[dreg:$0x3] =	wrdreg s14  }
0xb3: {  	[dreg:$0x4] =	wrdreg $0x9  }
0xb4: {  	_ =	task.clear_ibuf [dreg:s5], $0x5FFFF;
	_ =	strace $0x90000046  }
0xb5: {  	s26 =	simm.s32 $0x9;
	_ =	strace $0x80000048  }
0xb6: {  	_ =	swait.ge [sflag:s26], $0x1  }
0xb7: {  	[sflag:s26] =	ssyncadd.s32 $0xFFFFFFFF  }
0xb8: {  	_ =	strace $0x90000048  }
0xb9: {  	_ =	sfence  }
0xba: {  	s28 =	sld [smem:$0x0];
	_ =	sdelay $0x1  }
0xbb: {  	s29 =	srdreg.scid  }
0xbc: {  	s30 =	sshll.u32 s29, $0xD;
	s31 =	sshrl.u32 s29, $0x2  }
0xbd: {  	s2 =	sand.u32 $0x4000, s30;
	s1 =	sand.u32 $0x1, s29;
	s0 =	sadd.s32 s31, s28  }
0xbe: {  	s1 =	sor.u32 s2, s1;
	s0 =	sshll.u32 s0, $0x11  }
0xbf: {  	s0 =	sor.u32 s0, s1  }
0xc0: {  	s0 =	sadd.s32 $0x8F2B, s0  }
0xc1: {  	[sflag:s0] =	ssyncadd.remote.s32 $0x1  }
0xc2: {  	_ =	sfence.sel $0xFFFF  }
0xc3: {  	[dreg:$0x0] =	wrdreg $0xFFFFFFFF;
	(pc) =	sbr.abs _section_cstart, $3  }
0xc4: {  	[dreg:$0x1] =	wrdreg $0xFFFFFFFF  }
0xc5: {  	_ =	task.clear_ibuf [dreg:s5], $0x2FFFF;
	_ =	strace $0x9FFFFFFF  }
0xc6: {  	(tm) =	ssettm $0x7FFFFFFF  }
0xc7: {  	_ =	shalt  }
tec
execute0_lowered:
.L_overlay_start_1:
0x0: {  	(tag) =	ssettag $0x1  }
0x1: {  	s1 =	rddreg [dreg:$0x0]  }
0x2: {  	s2 =	rddreg [dreg:$0x1]  }
0x3: {  	s0 =	rddreg [dreg:$0x2];
	s3 =	stileid.u32  }
0x4: {  	_ =	strace $0x80000047;
	s4 =	simm.s32 $0x3E;
	p0 =	sne.s32 s3, $0x0  }
0x5: {  	[sflag:s4] =	ssyncpa.u1 $0x0;
	s5 =	simm.s32 @!p0 $0x1C3E;
	s6 =	simm.s32 @!p0 $0x0  }
0x6: {  	[spmem:s6], [sflag:s5] =	dma.local @!p0 [hbm:s1], $0x400  }
0x7: {  	s5 =	simm.s32 @!p0 $0x3E  }
0x8: {  	_ =	swait.ge @!p0 [sflag:s5], $0x400  }
0x9: {  	[sflag:s5] =	ssyncset.done @!p0 $0x0  }
0xa: {  	[sflag:s5] =	ssyncadd.s32 @!p0 $0xFFFFFC00  }
0xb: {  	s28 =	simm.s32 $0x1;
	s29 =	simm.s32 $0x2;
	[bflag:$0x0] =	sbarrier.arrive $0xFFFF  }
0xc: {  	s7 =	simm.s32 $0x600;
	s3 =	sshll.u32 s3, $0x7;
	[sflag:s4] =	ssyncpa.u1 $0x1  }
0xd: {  	s30 =	sadd.s32 $0x400, s1;
	s31 =	sadd.s32 s2, s3;
	[sflag:s28] =	ssyncpa.u1 $0x0  }
0xe: {  	s2 =	simm.s32 $0x0;
	(ifvalue) =	ssetifvalue $0x2000;
	[sflag:s29] =	ssyncpa.u1 $0x0  }
0xf: {  	[tilespmem:s7], [sflag:$0x2] =	stream.linear.gather [hbm4b:s31+s2], $0x400, $0x38;
	[tilespmem:$0x1200] =	vst v63  }
0x10: {  	s5 =	sadd.s32 s30, s3;
	s3 =	simm.s32 $0xE00  }
0x11: {  	[tilespmem:s3], [sflag:$0x2] =	stream.linear.gather [hbm4b:s5+s2], $0x400, $0x38;
	[tilespmem:$0x1200] =	vst v63  }
0x12: {  	_ =	swait.ge [sflag:s29], $0x800  }
0x13: {  	[sflag:s29] =	ssyncset.done $0x0  }
0x14: {  	[sflag:s29] =	ssyncadd.s32 $0xFFFFF800  }
0x15: {  	v0 =	vld.msk [tilespmem:s7+$0x0 ss:$0x1], $0xffff;
	_ =	sdelay $0x4  }
0x16: {  	v0 =	vmin.u32 v0, $0x2000;
	_ =	sdelay $0x3  }
0x17: {  	vm0 =	vmmov $0xffff;
	s4 =	simm.s32 $0x0;
	s5 =	simm.s32 $0x610  }
0x18: {  	[spmem:s2] =	stream.indirect_vreg.scatter.add.s32 [tilespmem:s3], [sflag:$0x1], $0x1, v0, vm0, $0x4038;
	[tilespmem:$0x1200] =	vst v63  }
.LBB2_1:
0x19: {  	v0 =	vld.msk [tilespmem:s5+$0x0 ss:$0x1], $0xffff;
	s4 =	sadd.s32 $0x10, s4  }
0x1a: {  	p1 =	slt.u32 s4, $0x3F0;
	_ =	sdelay $0x4  }
0x1b: {  	v0 =	vmin.u32 v0, $0x2000  }
.Ltmp0:
0x1c: {  	(pc) =	sbr.rel @p1 .LBB2_1-.Ltmp0, $3  }
0x1d: {  	_ =	sdelay $0x1  }
0x1e: {  	s5 =	sadd.s32 $0x10, s5;
	s3 =	sadd.s32 $0x10, s3  }
0x1f: {  	[spmem:s2] =	stream.indirect_vreg.scatter.add.s32 [tilespmem:s3], [sflag:$0x1], $0x1, v0, vm0, $0x4038;
	[tilespmem:$0x1200] =	vst v63  }
0x20: {  	s2 =	simm.s32 $0x1  }
0x21: {  	_ =	swait.ge [sflag:s2], $0x400  }
0x22: {  	[sflag:s2] =	ssyncset.done $0x0  }
0x23: {  	[sflag:s2] =	ssyncadd.s32 $0xFFFFFC00  }
0x24: {  	_ =	sfence.sel $0x180000  }
0x25: {  	s3 =	simm.s32 $0x2;
	[bflag:$0x0] =	sbarrier.arrive $0xFFFF  }
0x26: {  	[sflag:s3] =	ssyncpa.u1 $0x1  }
0x27: {  	[sflag:s2] =	ssyncpa.u1 $0x1  }
0x28: {  	_ =	sfence.stream.spmem  }
0x29: {  	s31 =	simm.s32 $0x3D;
	[bflag:$0x0] =	sbarrier.arrive $0xFFFF  }
0x2a: {  	s2 =	simm.s32 @p0 $0x3D;
	[sflag:s31] =	ssyncpa.u1 $0x0  }
0x2b: {  	[sflag:s2] =	ssyncpa.u1 @p0 $0x1  }
0x2c: {  	[bflag:$0x0] =	sbarrier.arrive @p0 $0xFFFF  }
0x2d: {  	_ =	strace @p0 $0x90000047  }
0x2e: {  	s3 =	simm.s32 @!p0 $0x1C3D;
	s2 =	simm.s32 @!p0 $0x0;
	[bflag:$0x2] =	sbarrier.arrive @p0 $0xFFFF  }
0x2f: {  	[hbm:s1], [sflag:s3] =	dma.local @!p0 [spmem:s2], $0x400  }
0x30: {  	s1 =	simm.s32 @!p0 $0x3D  }
0x31: {  	_ =	swait.ge @!p0 [sflag:s1], $0x400  }
0x32: {  	[sflag:s1] =	ssyncset.done @!p0 $0x0  }
0x33: {  	[sflag:s1] =	ssyncadd.s32 @!p0 $0xFFFFFC00  }
0x34: {  	[sflag:s1] =	ssyncpa.u1 @!p0 $0x1  }
0x35: {  	[bflag:$0x0] =	sbarrier.arrive @!p0 $0xFFFF  }
0x36: {  	_ =	strace @!p0 $0x90000047  }
0x37: {  	s0 =	sadd.s32 @!p0 $0x100000, s0;
	[bflag:$0x2] =	sbarrier.arrive @!p0 $0xFFFF  }
0x38: {  	[sflag:s0] =	ssyncadd.tile.s32 @!p0 $0x1;
	_ =	shalt  }
.Lfunc_end2:
_tile_overlayer_lowered:
.L_overlay_start_2:
0x39: {  	(tag) =	ssettag $0x2  }
0x3a: {  	s0 =	rddreg [dreg:$0x0];
	s2 =	stileid.u32  }
0x3b: {  	s1 =	rddreg [dreg:$0x1];
	p0 =	sne.s32 s2, $0x0  }
0x3c: {  	s3 =	rddreg [dreg:$0x2];
	[bflag:$0x3] =	sbarrier.arrive $0xFFFF;
	s2 =	simm.s32 @!p0 $0x1C01  }
0x3d: {  	[timem:s3], [sflag:s2] =	dma.local @!p0 [hbm:s0], s1  }
0x3e: {  	s0 =	simm.s32 @!p0 $0x1  }
0x3f: {  	_ =	swait.ge @!p0 [sflag:s0], s1  }
0x40: {  	s1 =	ssub.s32 @!p0 $0x0, s1;
	[sflag:s0] =	ssyncset.done @!p0 $0x0  }
0x41: {  	[sflag:s0] =	ssyncadd.s32 @!p0 s1  }
0x42: {  	[bflag:$0x3] =	sbarrier.arrive $0xFFFF  }
0x43: {  	_ =	shalt  }

</sc_bundles>
